<compile_context>
chip_gen: v7x
topology: tpu7x:2x2x1
jax: 0.10.2.dev20260603
libtpu: 0.0.44.dev20260713+nightly
codegen_flags: <defaults>
</compile_context>

<pallas_src>
import functools
import math

import jax
import jax.numpy as jnp
from jax import lax
from jax.experimental import pallas as pl
from jax.experimental.pallas import tpu as pltpu
from jax.experimental.pallas import tpu_sc as plsc

L = 16
STAGE = 1024
SUB = 256


def _make_kernel(VP, D, B, NW, NC):
    per_w = B // NW
    nstage = per_w // STAGE
    nsub = STAGE // SUB
    ngrp = SUB // L
    vregs_per_row = D // L

    mesh = plsc.VectorSubcoreMesh(core_axis_name="c", subcore_axis_name="s")

    @functools.partial(
        pl.kernel,
        out_type=jax.ShapeDtypeStruct((B, D), jnp.float32),
        mesh=mesh,
        scratch_types=[
            pltpu.VMEM((STAGE,), jnp.int32),
            pltpu.VMEM((STAGE,), jnp.int32),
            pltpu.VMEM((SUB, 2 * D), jnp.float32),
            pltpu.VMEM((SUB, D), jnp.float32),
            pltpu.SemaphoreType.DMA,
        ],
    )
    def emb(tbl_hbm, idx_hbm, par_hbm, out_hbm, idx_v, par_v, rows_v, outb_v,
            gsem):
        wid = lax.axis_index("s") * NC + lax.axis_index("c")
        wbase = pl.multiple_of(wid * per_w, STAGE)

        def stage_body(s, carry):
            t0 = pl.multiple_of(wbase + s * STAGE, STAGE)
            pltpu.sync_copy(idx_hbm.at[pl.ds(t0, STAGE)], idx_v)
            pltpu.sync_copy(par_hbm.at[pl.ds(t0, STAGE)], par_v)

            def sub_body(u, carry2):
                o0 = pl.multiple_of(u * SUB, SUB)
                cps = [
                    pltpu.async_copy(
                        tbl_hbm.at[idx_v[pl.ds(o0 + k * L, L)]],
                        rows_v.at[pl.ds(k * L, L)],
                        gsem,
                    )
                    for k in range(ngrp)
                ]
                for cp in cps:
                    cp.wait()

                def grp_body(g, carry3):
                    gof = pl.multiple_of(g * L, L)
                    pv = par_v[pl.ds(o0 + gof, L)]
                    for t in range(L):
                        p = pv[t]
                        row = gof + t
                        for l in range(vregs_per_row):
                            outb_v[row, pl.ds(l * L, L)] = (
                                rows_v[row, pl.ds(p + l * L, L)] * 8.0
                            )
                    return carry3

                lax.fori_loop(0, ngrp, grp_body, 0)

                pltpu.sync_copy(
                    outb_v, out_hbm.at[pl.ds(t0 + u * SUB, SUB)]
                )
                return carry2

            lax.fori_loop(0, nsub, sub_body, carry)
            return carry

        lax.fori_loop(0, nstage, stage_body, 0)

    return emb


def kernel(x, lut):
    B0, B1 = x.shape
    V, D = lut.shape
    B = B0 * B1
    info = plsc.get_sparse_core_info()
    NC, NS = info.num_cores, info.num_subcores
    NW = NC * NS
    if x.dtype != jnp.int32:
        x = x.astype(jnp.int32)
    tbl = lut.reshape(V // 2, 2 * D)
    pair = (x >> 1).reshape(B)
    par = ((x & 1) << 6).reshape(B)
    out = _make_kernel(V // 2, D, B, NW, NC)(tbl, pair, par)
    return out.reshape(B0, B1, D)

# --- scband reference (transcript-rebuilt; emitter-appended) ---
"""Pipeline reference for scband-embeddings-43542378447285 (READ-ONLY COPY).

The authoritative reference and input builder live on the scoring server;
editing this copy changes nothing except your own understanding.
"""

import jax, jax.numpy as jnp
import numpy as np
import math

N_TOKEN = 1000000
D = 64

def setup_inputs(seed: int = 0) -> dict:
    key = jax.random.key(seed)
    k1, k2 = jax.random.split(key)
    x = jax.random.randint(k1, (4096, 200), 0, N_TOKEN, dtype=jnp.int64)
    lut = jax.random.normal(k2, (N_TOKEN, D), dtype=jnp.float32)
    return {"x": x, "lut": lut}

def reference(x, lut):
    # Embeddings.forward: self.lut(x) * sqrt(D)
    emb = jnp.take(lut, x, axis=0)
    return emb * math.sqrt(D)

if __name__ == "__main__":
    import jax
    _d = setup_inputs()
    print(jax.jit(kernel)(*tuple(_d.values())))

</pallas_src>

<mosaic_0001>
#map = affine_map<(d0, d1) -> (0, 0)>
#map1 = affine_map<(d0, d1) -> (0)>
module attributes {stable_mosaic.version = 14 : i64} {
  func.func @emb(%arg0: i32, %arg1: i32, %arg2: memref<500000x128xf32, #tpu.memory_space<hbm>>, %arg3: memref<819200xi32, #tpu.memory_space<hbm>>, %arg4: memref<819200xi32, #tpu.memory_space<hbm>>, %arg5: memref<819200x64xf32, #tpu.memory_space<hbm>>, %arg6: memref<1024xi32, #tpu.memory_space<vmem>>, %arg7: memref<1024xi32, #tpu.memory_space<vmem>>, %arg8: memref<256x128xf32, #tpu.memory_space<vmem>>, %arg9: memref<256x64xf32, #tpu.memory_space<vmem>>, %arg10: memref<!tpu.dma_semaphore, #tpu.memory_space<semaphore_mem>>) attributes {dimension_semantics = [#tpu.dimension_semantics<core_parallel>, #tpu.dimension_semantics<subcore_parallel>], iteration_bounds = array<i64: 2, 16>, scalar_prefetch = 0 : i64, scratch_operands = 5 : i64, tpu.core_type = #tpu.core_type<sc_vector_subcore>, window_params = [{transform_indices = #map}, {transform_indices = #map1}, {transform_indices = #map1}, {transform_indices = #map}]} {
    %mul3A = arith.constant 2 : i32
    %mul3A_0 = arith.muli %arg1, %mul3A : i32
    %add3A = arith.addi %mul3A_0, %arg0 : i32
    %mul3A_1 = arith.constant 25600 : i32
    %mul3A_2 = arith.muli %add3A, %mul3A_1 : i32
    %multiple_of3A = tpu.assume_multiple %mul3A_2, 1024 : i32
    %scan3A = arith.constant 0 : i32
    %scan3A_3 = arith.constant 0 : i32
    %scan3A_4 = arith.constant 25 : i32
    %scan3A_5 = arith.addi %scan3A_3, %scan3A_4 : i32
    %scan3A_6 = arith.constant 1 : i32
    scf.for %scan3A_8 = %scan3A_3 to %scan3A_5 step %scan3A_6  : i32 {
      %mul3A_9 = arith.constant 1024 : i32
      %mul3A_10 = arith.muli %scan3A_8, %mul3A_9 : i32
      %add3A_11 = arith.addi %multiple_of3A, %mul3A_10 : i32
      %multiple_of3A_12 = tpu.assume_multiple %add3A_11, 1024 : i32
      "tpu.region"() ({
        %run_scoped3A = tpu.sem_alloc : memref<!tpu.dma_semaphore, #tpu.memory_space<semaphore_mem>>
        %dma_start3A = tpu.memref_slice %arg3[%multiple_of3A_12] : memref<819200xi32, #tpu.memory_space<hbm>> -> memref<1024xi32, #tpu.memory_space<hbm>>
        %dma_start3A_18 = tpu.memref_slice %arg3[%multiple_of3A_12] : memref<819200xi32, #tpu.memory_space<hbm>> -> memref<1024xi32, #tpu.memory_space<hbm>>
        tpu.enqueue_dma source(%dma_start3A_18 : memref<1024xi32, #tpu.memory_space<hbm>>) target(%arg6 : memref<1024xi32, #tpu.memory_space<vmem>>) target_semaphore(%run_scoped3A : memref<!tpu.dma_semaphore, #tpu.memory_space<semaphore_mem>>)
        %dma_wait3A = tpu.memref_slice %arg3[%multiple_of3A_12] : memref<819200xi32, #tpu.memory_space<hbm>> -> memref<1024xi32, #tpu.memory_space<hbm>>
        %dma_wait3A_19 = tpu.memref_slice %arg3[%multiple_of3A_12] : memref<819200xi32, #tpu.memory_space<hbm>> -> memref<1024xi32, #tpu.memory_space<hbm>>
        tpu.wait_dma2 semaphore(%run_scoped3A : memref<!tpu.dma_semaphore, #tpu.memory_space<semaphore_mem>>) src(%dma_wait3A_19 : memref<1024xi32, #tpu.memory_space<hbm>>) dst(%arg6 : memref<1024xi32, #tpu.memory_space<vmem>>)
        tpu.yield
      }) : () -> ()
      "tpu.region"() ({
        %run_scoped3A = tpu.sem_alloc : memref<!tpu.dma_semaphore, #tpu.memory_space<semaphore_mem>>
        %dma_start3A = tpu.memref_slice %arg4[%multiple_of3A_12] : memref<819200xi32, #tpu.memory_space<hbm>> -> memref<1024xi32, #tpu.memory_space<hbm>>
        %dma_start3A_18 = tpu.memref_slice %arg4[%multiple_of3A_12] : memref<819200xi32, #tpu.memory_space<hbm>> -> memref<1024xi32, #tpu.memory_space<hbm>>
        tpu.enqueue_dma source(%dma_start3A_18 : memref<1024xi32, #tpu.memory_space<hbm>>) target(%arg7 : memref<1024xi32, #tpu.memory_space<vmem>>) target_semaphore(%run_scoped3A : memref<!tpu.dma_semaphore, #tpu.memory_space<semaphore_mem>>)
        %dma_wait3A = tpu.memref_slice %arg4[%multiple_of3A_12] : memref<819200xi32, #tpu.memory_space<hbm>> -> memref<1024xi32, #tpu.memory_space<hbm>>
        %dma_wait3A_19 = tpu.memref_slice %arg4[%multiple_of3A_12] : memref<819200xi32, #tpu.memory_space<hbm>> -> memref<1024xi32, #tpu.memory_space<hbm>>
        tpu.wait_dma2 semaphore(%run_scoped3A : memref<!tpu.dma_semaphore, #tpu.memory_space<semaphore_mem>>) src(%dma_wait3A_19 : memref<1024xi32, #tpu.memory_space<hbm>>) dst(%arg7 : memref<1024xi32, #tpu.memory_space<vmem>>)
        tpu.yield
      }) : () -> ()
      %scan3A_13 = arith.constant 0 : i32
      %scan3A_14 = arith.constant 4 : i32
      %scan3A_15 = arith.addi %scan3A_13, %scan3A_14 : i32
      %scan3A_16 = arith.constant 1 : i32
      scf.for %scan3A_18 = %scan3A_13 to %scan3A_15 step %scan3A_16  : i32 {
        %mul3A_19 = arith.constant 256 : i32
        %mul3A_20 = arith.muli %scan3A_18, %mul3A_19 : i32
        %multiple_of3A_21 = tpu.assume_multiple %mul3A_20, 256 : i32
        %add3A_22 = arith.constant 0 : i32
        %add3A_23 = arith.addi %multiple_of3A_21, %add3A_22 : i32
        %get3A = arith.index_cast %add3A_23 : i32 to index
        %get3A_24 = tpu.vector_load %arg6[%get3A] {strides = array<i32>} : memref<1024xi32, #tpu.memory_space<vmem>>, vector<16xi32>,
        %get3A_25 = vector.shape_cast %get3A_24 : vector<16xi32> to vector<16xi32>
        %dma_start3A = arith.constant 0 : i32
        %dma_start3A_26 = arith.constant 0 : i32
        %dma_start3A_27 = tpu.memref_slice %arg8[%dma_start3A, %dma_start3A_26] : memref<256x128xf32, #tpu.memory_space<vmem>> -> memref<16x128xf32, #tpu.memory_space<vmem>>
        %dma_start3A_28 = arith.constant 0 : i32
        %dma_start3A_29 = arith.constant 0 : i32
        %dma_start3A_30 = tpu.memref_slice %arg2[%dma_start3A_28, %dma_start3A_29] : memref<500000x128xf32, #tpu.memory_space<hbm>> -> memref<500000x128xf32, #tpu.memory_space<hbm>>
        tpu.enqueue_indirect_dma source(%dma_start3A_30 : memref<500000x128xf32, #tpu.memory_space<hbm>>) target(%dma_start3A_27 : memref<16x128xf32, #tpu.memory_space<vmem>>) offsets(%get3A_25 : vector<16xi32>) semaphore(%arg10 : memref<!tpu.dma_semaphore, #tpu.memory_space<semaphore_mem>>)
        %add3A_31 = arith.constant 16 : i32
        %add3A_32 = arith.addi %multiple_of3A_21, %add3A_31 : i32
        %get3A_33 = arith.index_cast %add3A_32 : i32 to index
        %get3A_34 = tpu.vector_load %arg6[%get3A_33] {strides = array<i32>} : memref<1024xi32, #tpu.memory_space<vmem>>, vector<16xi32>,
        %get3A_35 = vector.shape_cast %get3A_34 : vector<16xi32> to vector<16xi32>
        %dma_start3A_36 = arith.constant 16 : i32
        %dma_start3A_37 = arith.constant 0 : i32
        %dma_start3A_38 = tpu.memref_slice %arg8[%dma_start3A_36, %dma_start3A_37] : memref<256x128xf32, #tpu.memory_space<vmem>> -> memref<16x128xf32, #tpu.memory_space<vmem>>
        %dma_start3A_39 = arith.constant 0 : i32
        %dma_start3A_40 = arith.constant 0 : i32
        %dma_start3A_41 = tpu.memref_slice %arg2[%dma_start3A_39, %dma_start3A_40] : memref<500000x128xf32, #tpu.memory_space<hbm>> -> memref<500000x128xf32, #tpu.memory_space<hbm>>
        tpu.enqueue_indirect_dma source(%dma_start3A_41 : memref<500000x128xf32, #tpu.memory_space<hbm>>) target(%dma_start3A_38 : memref<16x128xf32, #tpu.memory_space<vmem>>) offsets(%get3A_35 : vector<16xi32>) semaphore(%arg10 : memref<!tpu.dma_semaphore, #tpu.memory_space<semaphore_mem>>)
        %add3A_42 = arith.constant 32 : i32
        %add3A_43 = arith.addi %multiple_of3A_21, %add3A_42 : i32
        %get3A_44 = arith.index_cast %add3A_43 : i32 to index
        %get3A_45 = tpu.vector_load %arg6[%get3A_44] {strides = array<i32>} : memref<1024xi32, #tpu.memory_space<vmem>>, vector<16xi32>,
        %get3A_46 = vector.shape_cast %get3A_45 : vector<16xi32> to vector<16xi32>
        %dma_start3A_47 = arith.constant 32 : i32
        %dma_start3A_48 = arith.constant 0 : i32
        %dma_start3A_49 = tpu.memref_slice %arg8[%dma_start3A_47, %dma_start3A_48] : memref<256x128xf32, #tpu.memory_space<vmem>> -> memref<16x128xf32, #tpu.memory_space<vmem>>
        %dma_start3A_50 = arith.constant 0 : i32
        %dma_start3A_51 = arith.constant 0 : i32
        %dma_start3A_52 = tpu.memref_slice %arg2[%dma_start3A_50, %dma_start3A_51] : memref<500000x128xf32, #tpu.memory_space<hbm>> -> memref<500000x128xf32, #tpu.memory_space<hbm>>
        tpu.enqueue_indirect_dma source(%dma_start3A_52 : memref<500000x128xf32, #tpu.memory_space<hbm>>) target(%dma_start3A_49 : memref<16x128xf32, #tpu.memory_space<vmem>>) offsets(%get3A_46 : vector<16xi32>) semaphore(%arg10 : memref<!tpu.dma_semaphore, #tpu.memory_space<semaphore_mem>>)
        %add3A_53 = arith.constant 48 : i32
        %add3A_54 = arith.addi %multiple_of3A_21, %add3A_53 : i32
        %get3A_55 = arith.index_cast %add3A_54 : i32 to index
        %get3A_56 = tpu.vector_load %arg6[%get3A_55] {strides = array<i32>} : memref<1024xi32, #tpu.memory_space<vmem>>, vector<16xi32>,
        %get3A_57 = vector.shape_cast %get3A_56 : vector<16xi32> to vector<16xi32>
        %dma_start3A_58 = arith.constant 48 : i32
        %dma_start3A_59 = arith.constant 0 : i32
        %dma_start3A_60 = tpu.memref_slice %arg8[%dma_start3A_58, %dma_start3A_59] : memref<256x128xf32, #tpu.memory_space<vmem>> -> memref<16x128xf32, #tpu.memory_space<vmem>>
        %dma_start3A_61 = arith.constant 0 : i32
        %dma_start3A_62 = arith.constant 0 : i32
        %dma_start3A_63 = tpu.memref_slice %arg2[%dma_start3A_61, %dma_start3A_62] : memref<500000x128xf32, #tpu.memory_space<hbm>> -> memref<500000x128xf32, #tpu.memory_space<hbm>>
        tpu.enqueue_indirect_dma source(%dma_start3A_63 : memref<500000x128xf32, #tpu.memory_space<hbm>>) target(%dma_start3A_60 : memref<16x128xf32, #tpu.memory_space<vmem>>) offsets(%get3A_57 : vector<16xi32>) semaphore(%arg10 : memref<!tpu.dma_semaphore, #tpu.memory_space<semaphore_mem>>)
        %add3A_64 = arith.constant 64 : i32
        %add3A_65 = arith.addi %multiple_of3A_21, %add3A_64 : i32
        %get3A_66 = arith.index_cast %add3A_65 : i32 to index
        %get3A_67 = tpu.vector_load %arg6[%get3A_66] {strides = array<i32>} : memref<1024xi32, #tpu.memory_space<vmem>>, vector<16xi32>,
        %get3A_68 = vector.shape_cast %get3A_67 : vector<16xi32> to vector<16xi32>
        %dma_start3A_69 = arith.constant 64 : i32
        %dma_start3A_70 = arith.constant 0 : i32
        %dma_start3A_71 = tpu.memref_slice %arg8[%dma_start3A_69, %dma_start3A_70] : memref<256x128xf32, #tpu.memory_space<vmem>> -> memref<16x128xf32, #tpu.memory_space<vmem>>
        %dma_start3A_72 = arith.constant 0 : i32
        %dma_start3A_73 = arith.constant 0 : i32
        %dma_start3A_74 = tpu.memref_slice %arg2[%dma_start3A_72, %dma_start3A_73] : memref<500000x128xf32, #tpu.memory_space<hbm>> -> memref<500000x128xf32, #tpu.memory_space<hbm>>
        tpu.enqueue_indirect_dma source(%dma_start3A_74 : memref<500000x128xf32, #tpu.memory_space<hbm>>) target(%dma_start3A_71 : memref<16x128xf32, #tpu.memory_space<vmem>>) offsets(%get3A_68 : vector<16xi32>) semaphore(%arg10 : memref<!tpu.dma_semaphore, #tpu.memory_space<semaphore_mem>>)
        %add3A_75 = arith.constant 80 : i32
        %add3A_76 = arith.addi %multiple_of3A_21, %add3A_75 : i32
        %get3A_77 = arith.index_cast %add3A_76 : i32 to index
        %get3A_78 = tpu.vector_load %arg6[%get3A_77] {strides = array<i32>} : memref<1024xi32, #tpu.memory_space<vmem>>, vector<16xi32>,
        %get3A_79 = vector.shape_cast %get3A_78 : vector<16xi32> to vector<16xi32>
        %dma_start3A_80 = arith.constant 80 : i32
        %dma_start3A_81 = arith.constant 0 : i32
        %dma_start3A_82 = tpu.memref_slice %arg8[%dma_start3A_80, %dma_start3A_81] : memref<256x128xf32, #tpu.memory_space<vmem>> -> memref<16x128xf32, #tpu.memory_space<vmem>>
        %dma_start3A_83 = arith.constant 0 : i32
        %dma_start3A_84 = arith.constant 0 : i32
        %dma_start3A_85 = tpu.memref_slice %arg2[%dma_start3A_83, %dma_start3A_84] : memref<500000x128xf32, #tpu.memory_space<hbm>> -> memref<500000x128xf32, #tpu.memory_space<hbm>>
        tpu.enqueue_indirect_dma source(%dma_start3A_85 : memref<500000x128xf32, #tpu.memory_space<hbm>>) target(%dma_start3A_82 : memref<16x128xf32, #tpu.memory_space<vmem>>) offsets(%get3A_79 : vector<16xi32>) semaphore(%arg10 : memref<!tpu.dma_semaphore, #tpu.memory_space<semaphore_mem>>)
        %add3A_86 = arith.constant 96 : i32
        %add3A_87 = arith.addi %multiple_of3A_21, %add3A_86 : i32
        %get3A_88 = arith.index_cast %add3A_87 : i32 to index
        %get3A_89 = tpu.vector_load %arg6[%get3A_88] {strides = array<i32>} : memref<1024xi32, #tpu.memory_space<vmem>>, vector<16xi32>,
        %get3A_90 = vector.shape_cast %get3A_89 : vector<16xi32> to vector<16xi32>
        %dma_start3A_91 = arith.constant 96 : i32
        %dma_start3A_92 = arith.constant 0 : i32
        %dma_start3A_93 = tpu.memref_slice %arg8[%dma_start3A_91, %dma_start3A_92] : memref<256x128xf32, #tpu.memory_space<vmem>> -> memref<16x128xf32, #tpu.memory_space<vmem>>
        %dma_start3A_94 = arith.constant 0 : i32
        %dma_start3A_95 = arith.constant 0 : i32
        %dma_start3A_96 = tpu.memref_slice %arg2[%dma_start3A_94, %dma_start3A_95] : memref<500000x128xf32, #tpu.memory_space<hbm>> -> memref<500000x128xf32, #tpu.memory_space<hbm>>
        tpu.enqueue_indirect_dma source(%dma_start3A_96 : memref<500000x128xf32, #tpu.memory_space<hbm>>) target(%dma_start3A_93 : memref<16x128xf32, #tpu.memory_space<vmem>>) offsets(%get3A_90 : vector<16xi32>) semaphore(%arg10 : memref<!tpu.dma_semaphore, #tpu.memory_space<semaphore_mem>>)
        %add3A_97 = arith.constant 112 : i32
        %add3A_98 = arith.addi %multiple_of3A_21, %add3A_97 : i32
        %get3A_99 = arith.index_cast %add3A_98 : i32 to index
        %get3A_100 = tpu.vector_load %arg6[%get3A_99] {strides = array<i32>} : memref<1024xi32, #tpu.memory_space<vmem>>, vector<16xi32>,
        %get3A_101 = vector.shape_cast %get3A_100 : vector<16xi32> to vector<16xi32>
        %dma_start3A_102 = arith.constant 112 : i32
        %dma_start3A_103 = arith.constant 0 : i32
        %dma_start3A_104 = tpu.memref_slice %arg8[%dma_start3A_102, %dma_start3A_103] : memref<256x128xf32, #tpu.memory_space<vmem>> -> memref<16x128xf32, #tpu.memory_space<vmem>>
        %dma_start3A_105 = arith.constant 0 : i32
        %dma_start3A_106 = arith.constant 0 : i32
        %dma_start3A_107 = tpu.memref_slice %arg2[%dma_start3A_105, %dma_start3A_106] : memref<500000x128xf32, #tpu.memory_space<hbm>> -> memref<500000x128xf32, #tpu.memory_space<hbm>>
        tpu.enqueue_indirect_dma source(%dma_start3A_107 : memref<500000x128xf32, #tpu.memory_space<hbm>>) target(%dma_start3A_104 : memref<16x128xf32, #tpu.memory_space<vmem>>) offsets(%get3A_101 : vector<16xi32>) semaphore(%arg10 : memref<!tpu.dma_semaphore, #tpu.memory_space<semaphore_mem>>)
        %add3A_108 = arith.constant 128 : i32
        %add3A_109 = arith.addi %multiple_of3A_21, %add3A_108 : i32
        %get3A_110 = arith.index_cast %add3A_109 : i32 to index
        %get3A_111 = tpu.vector_load %arg6[%get3A_110] {strides = array<i32>} : memref<1024xi32, #tpu.memory_space<vmem>>, vector<16xi32>,
        %get3A_112 = vector.shape_cast %get3A_111 : vector<16xi32> to vector<16xi32>
        %dma_start3A_113 = arith.constant 128 : i32
        %dma_start3A_114 = arith.constant 0 : i32
        %dma_start3A_115 = tpu.memref_slice %arg8[%dma_start3A_113, %dma_start3A_114] : memref<256x128xf32, #tpu.memory_space<vmem>> -> memref<16x128xf32, #tpu.memory_space<vmem>>
        %dma_start3A_116 = arith.constant 0 : i32
        %dma_start3A_117 = arith.constant 0 : i32
        %dma_start3A_118 = tpu.memref_slice %arg2[%dma_start3A_116, %dma_start3A_117] : memref<500000x128xf32, #tpu.memory_space<hbm>> -> memref<500000x128xf32, #tpu.memory_space<hbm>>
        tpu.enqueue_indirect_dma source(%dma_start3A_118 : memref<500000x128xf32, #tpu.memory_space<hbm>>) target(%dma_start3A_115 : memref<16x128xf32, #tpu.memory_space<vmem>>) offsets(%get3A_112 : vector<16xi32>) semaphore(%arg10 : memref<!tpu.dma_semaphore, #tpu.memory_space<semaphore_mem>>)
        %add3A_119 = arith.constant 144 : i32
        %add3A_120 = arith.addi %multiple_of3A_21, %add3A_119 : i32
        %get3A_121 = arith.index_cast %add3A_120 : i32 to index
        %get3A_122 = tpu.vector_load %arg6[%get3A_121] {strides = array<i32>} : memref<1024xi32, #tpu.memory_space<vmem>>, vector<16xi32>,
        %get3A_123 = vector.shape_cast %get3A_122 : vector<16xi32> to vector<16xi32>
        %dma_start3A_124 = arith.constant 144 : i32
        %dma_start3A_125 = arith.constant 0 : i32
        %dma_start3A_126 = tpu.memref_slice %arg8[%dma_start3A_124, %dma_start3A_125] : memref<256x128xf32, #tpu.memory_space<vmem>> -> memref<16x128xf32, #tpu.memory_space<vmem>>
        %dma_start3A_127 = arith.constant 0 : i32
        %dma_start3A_128 = arith.constant 0 : i32
        %dma_start3A_129 = tpu.memref_slice %arg2[%dma_start3A_127, %dma_start3A_128] : memref<500000x128xf32, #tpu.memory_space<hbm>> -> memref<500000x128xf32, #tpu.memory_space<hbm>>
        tpu.enqueue_indirect_dma source(%dma_start3A_129 : memref<500000x128xf32, #tpu.memory_space<hbm>>) target(%dma_start3A_126 : memref<16x128xf32, #tpu.memory_space<vmem>>) offsets(%get3A_123 : vector<16xi32>) semaphore(%arg10 : memref<!tpu.dma_semaphore, #tpu.memory_space<semaphore_mem>>)
        %add3A_130 = arith.constant 160 : i32
        %add3A_131 = arith.addi %multiple_of3A_21, %add3A_130 : i32
        %get3A_132 = arith.index_cast %add3A_131 : i32 to index
        %get3A_133 = tpu.vector_load %arg6[%get3A_132] {strides = array<i32>} : memref<1024xi32, #tpu.memory_space<vmem>>, vector<16xi32>,
        %get3A_134 = vector.shape_cast %get3A_133 : vector<16xi32> to vector<16xi32>
        %dma_start3A_135 = arith.constant 160 : i32
        %dma_start3A_136 = arith.constant 0 : i32
        %dma_start3A_137 = tpu.memref_slice %arg8[%dma_start3A_135, %dma_start3A_136] : memref<256x128xf32, #tpu.memory_space<vmem>> -> memref<16x128xf32, #tpu.memory_space<vmem>>
        %dma_start3A_138 = arith.constant 0 : i32
        %dma_start3A_139 = arith.constant 0 : i32
        %dma_start3A_140 = tpu.memref_slice %arg2[%dma_start3A_138, %dma_start3A_139] : memref<500000x128xf32, #tpu.memory_space<hbm>> -> memref<500000x128xf32, #tpu.memory_space<hbm>>
        tpu.enqueue_indirect_dma source(%dma_start3A_140 : memref<500000x128xf32, #tpu.memory_space<hbm>>) target(%dma_start3A_137 : memref<16x128xf32, #tpu.memory_space<vmem>>) offsets(%get3A_134 : vector<16xi32>) semaphore(%arg10 : memref<!tpu.dma_semaphore, #tpu.memory_space<semaphore_mem>>)
        %add3A_141 = arith.constant 176 : i32
        %add3A_142 = arith.addi %multiple_of3A_21, %add3A_141 : i32
        %get3A_143 = arith.index_cast %add3A_142 : i32 to index
        %get3A_144 = tpu.vector_load %arg6[%get3A_143] {strides = array<i32>} : memref<1024xi32, #tpu.memory_space<vmem>>, vector<16xi32>,
        %get3A_145 = vector.shape_cast %get3A_144 : vector<16xi32> to vector<16xi32>
        %dma_start3A_146 = arith.constant 176 : i32
        %dma_start3A_147 = arith.constant 0 : i32
        %dma_start3A_148 = tpu.memref_slice %arg8[%dma_start3A_146, %dma_start3A_147] : memref<256x128xf32, #tpu.memory_space<vmem>> -> memref<16x128xf32, #tpu.memory_space<vmem>>
        %dma_start3A_149 = arith.constant 0 : i32
        %dma_start3A_150 = arith.constant 0 : i32
        %dma_start3A_151 = tpu.memref_slice %arg2[%dma_start3A_149, %dma_start3A_150] : memref<500000x128xf32, #tpu.memory_space<hbm>> -> memref<500000x128xf32, #tpu.memory_space<hbm>>
        tpu.enqueue_indirect_dma source(%dma_start3A_151 : memref<500000x128xf32, #tpu.memory_space<hbm>>) target(%dma_start3A_148 : memref<16x128xf32, #tpu.memory_space<vmem>>) offsets(%get3A_145 : vector<16xi32>) semaphore(%arg10 : memref<!tpu.dma_semaphore, #tpu.memory_space<semaphore_mem>>)
        %add3A_152 = arith.constant 192 : i32
        %add3A_153 = arith.addi %multiple_of3A_21, %add3A_152 : i32
        %get3A_154 = arith.index_cast %add3A_153 : i32 to index
        %get3A_155 = tpu.vector_load %arg6[%get3A_154] {strides = array<i32>} : memref<1024xi32, #tpu.memory_space<vmem>>, vector<16xi32>,
        %get3A_156 = vector.shape_cast %get3A_155 : vector<16xi32> to vector<16xi32>
        %dma_start3A_157 = arith.constant 192 : i32
        %dma_start3A_158 = arith.constant 0 : i32
        %dma_start3A_159 = tpu.memref_slice %arg8[%dma_start3A_157, %dma_start3A_158] : memref<256x128xf32, #tpu.memory_space<vmem>> -> memref<16x128xf32, #tpu.memory_space<vmem>>
        %dma_start3A_160 = arith.constant 0 : i32
        %dma_start3A_161 = arith.constant 0 : i32
        %dma_start3A_162 = tpu.memref_slice %arg2[%dma_start3A_160, %dma_start3A_161] : memref<500000x128xf32, #tpu.memory_space<hbm>> -> memref<500000x128xf32, #tpu.memory_space<hbm>>
        tpu.enqueue_indirect_dma source(%dma_start3A_162 : memref<500000x128xf32, #tpu.memory_space<hbm>>) target(%dma_start3A_159 : memref<16x128xf32, #tpu.memory_space<vmem>>) offsets(%get3A_156 : vector<16xi32>) semaphore(%arg10 : memref<!tpu.dma_semaphore, #tpu.memory_space<semaphore_mem>>)
        %add3A_163 = arith.constant 208 : i32
        %add3A_164 = arith.addi %multiple_of3A_21, %add3A_163 : i32
        %get3A_165 = arith.index_cast %add3A_164 : i32 to index
        %get3A_166 = tpu.vector_load %arg6[%get3A_165] {strides = array<i32>} : memref<1024xi32, #tpu.memory_space<vmem>>, vector<16xi32>,
        %get3A_167 = vector.shape_cast %get3A_166 : vector<16xi32> to vector<16xi32>
        %dma_start3A_168 = arith.constant 208 : i32
        %dma_start3A_169 = arith.constant 0 : i32
        %dma_start3A_170 = tpu.memref_slice %arg8[%dma_start3A_168, %dma_start3A_169] : memref<256x128xf32, #tpu.memory_space<vmem>> -> memref<16x128xf32, #tpu.memory_space<vmem>>
        %dma_start3A_171 = arith.constant 0 : i32
        %dma_start3A_172 = arith.constant 0 : i32
        %dma_start3A_173 = tpu.memref_slice %arg2[%dma_start3A_171, %dma_start3A_172] : memref<500000x128xf32, #tpu.memory_space<hbm>> -> memref<500000x128xf32, #tpu.memory_space<hbm>>
        tpu.enqueue_indirect_dma source(%dma_start3A_173 : memref<500000x128xf32, #tpu.memory_space<hbm>>) target(%dma_start3A_170 : memref<16x128xf32, #tpu.memory_space<vmem>>) offsets(%get3A_167 : vector<16xi32>) semaphore(%arg10 : memref<!tpu.dma_semaphore, #tpu.memory_space<semaphore_mem>>)
        %add3A_174 = arith.constant 224 : i32
        %add3A_175 = arith.addi %multiple_of3A_21, %add3A_174 : i32
        %get3A_176 = arith.index_cast %add3A_175 : i32 to index
        %get3A_177 = tpu.vector_load %arg6[%get3A_176] {strides = array<i32>} : memref<1024xi32, #tpu.memory_space<vmem>>, vector<16xi32>,
        %get3A_178 = vector.shape_cast %get3A_177 : vector<16xi32> to vector<16xi32>
        %dma_start3A_179 = arith.constant 224 : i32
        %dma_start3A_180 = arith.constant 0 : i32
        %dma_start3A_181 = tpu.memref_slice %arg8[%dma_start3A_179, %dma_start3A_180] : memref<256x128xf32, #tpu.memory_space<vmem>> -> memref<16x128xf32, #tpu.memory_space<vmem>>
        %dma_start3A_182 = arith.constant 0 : i32
        %dma_start3A_183 = arith.constant 0 : i32
        %dma_start3A_184 = tpu.memref_slice %arg2[%dma_start3A_182, %dma_start3A_183] : memref<500000x128xf32, #tpu.memory_space<hbm>> -> memref<500000x128xf32, #tpu.memory_space<hbm>>
        tpu.enqueue_indirect_dma source(%dma_start3A_184 : memref<500000x128xf32, #tpu.memory_space<hbm>>) target(%dma_start3A_181 : memref<16x128xf32, #tpu.memory_space<vmem>>) offsets(%get3A_178 : vector<16xi32>) semaphore(%arg10 : memref<!tpu.dma_semaphore, #tpu.memory_space<semaphore_mem>>)
        %add3A_185 = arith.constant 240 : i32
        %add3A_186 = arith.addi %multiple_of3A_21, %add3A_185 : i32
        %get3A_187 = arith.index_cast %add3A_186 : i32 to index
        %get3A_188 = tpu.vector_load %arg6[%get3A_187] {strides = array<i32>} : memref<1024xi32, #tpu.memory_space<vmem>>, vector<16xi32>,
        %get3A_189 = vector.shape_cast %get3A_188 : vector<16xi32> to vector<16xi32>
        %dma_start3A_190 = arith.constant 240 : i32
        %dma_start3A_191 = arith.constant 0 : i32
        %dma_start3A_192 = tpu.memref_slice %arg8[%dma_start3A_190, %dma_start3A_191] : memref<256x128xf32, #tpu.memory_space<vmem>> -> memref<16x128xf32, #tpu.memory_space<vmem>>
        %dma_start3A_193 = arith.constant 0 : i32
        %dma_start3A_194 = arith.constant 0 : i32
        %dma_start3A_195 = tpu.memref_slice %arg2[%dma_start3A_193, %dma_start3A_194] : memref<500000x128xf32, #tpu.memory_space<hbm>> -> memref<500000x128xf32, #tpu.memory_space<hbm>>
        tpu.enqueue_indirect_dma source(%dma_start3A_195 : memref<500000x128xf32, #tpu.memory_space<hbm>>) target(%dma_start3A_192 : memref<16x128xf32, #tpu.memory_space<vmem>>) offsets(%get3A_189 : vector<16xi32>) semaphore(%arg10 : memref<!tpu.dma_semaphore, #tpu.memory_space<semaphore_mem>>)
        %dma_wait3A = arith.constant 0 : i32
        %dma_wait3A_196 = arith.constant 0 : i32
        %dma_wait3A_197 = tpu.memref_slice %arg8[%dma_wait3A, %dma_wait3A_196] : memref<256x128xf32, #tpu.memory_space<vmem>> -> memref<16x128xf32, #tpu.memory_space<vmem>>
        %dma_wait3A_198 = arith.constant 0 : i32
        %dma_wait3A_199 = arith.constant 0 : i32
        %dma_wait3A_200 = tpu.memref_slice %arg2[%dma_wait3A_198, %dma_wait3A_199] : memref<500000x128xf32, #tpu.memory_space<hbm>> -> memref<500000x128xf32, #tpu.memory_space<hbm>>
        tpu.wait_indirect_dma semaphore(%arg10 : memref<!tpu.dma_semaphore, #tpu.memory_space<semaphore_mem>>) src(%dma_wait3A_200 : memref<500000x128xf32, #tpu.memory_space<hbm>>) dst(%dma_wait3A_197 : memref<16x128xf32, #tpu.memory_space<vmem>>)
        %dma_wait3A_201 = arith.constant 16 : i32
        %dma_wait3A_202 = arith.constant 0 : i32
        %dma_wait3A_203 = tpu.memref_slice %arg8[%dma_wait3A_201, %dma_wait3A_202] : memref<256x128xf32, #tpu.memory_space<vmem>> -> memref<16x128xf32, #tpu.memory_space<vmem>>
        %dma_wait3A_204 = arith.constant 0 : i32
        %dma_wait3A_205 = arith.constant 0 : i32
        %dma_wait3A_206 = tpu.memref_slice %arg2[%dma_wait3A_204, %dma_wait3A_205] : memref<500000x128xf32, #tpu.memory_space<hbm>> -> memref<500000x128xf32, #tpu.memory_space<hbm>>
        tpu.wait_indirect_dma semaphore(%arg10 : memref<!tpu.dma_semaphore, #tpu.memory_space<semaphore_mem>>) src(%dma_wait3A_206 : memref<500000x128xf32, #tpu.memory_space<hbm>>) dst(%dma_wait3A_203 : memref<16x128xf32, #tpu.memory_space<vmem>>)
        %dma_wait3A_207 = arith.constant 32 : i32
        %dma_wait3A_208 = arith.constant 0 : i32
        %dma_wait3A_209 = tpu.memref_slice %arg8[%dma_wait3A_207, %dma_wait3A_208] : memref<256x128xf32, #tpu.memory_space<vmem>> -> memref<16x128xf32, #tpu.memory_space<vmem>>
        %dma_wait3A_210 = arith.constant 0 : i32
        %dma_wait3A_211 = arith.constant 0 : i32
        %dma_wait3A_212 = tpu.memref_slice %arg2[%dma_wait3A_210, %dma_wait3A_211] : memref<500000x128xf32, #tpu.memory_space<hbm>> -> memref<500000x128xf32, #tpu.memory_space<hbm>>
        tpu.wait_indirect_dma semaphore(%arg10 : memref<!tpu.dma_semaphore, #tpu.memory_space<semaphore_mem>>) src(%dma_wait3A_212 : memref<500000x128xf32, #tpu.memory_space<hbm>>) dst(%dma_wait3A_209 : memref<16x128xf32, #tpu.memory_space<vmem>>)
        %dma_wait3A_213 = arith.constant 48 : i32
        %dma_wait3A_214 = arith.constant 0 : i32
        %dma_wait3A_215 = tpu.memref_slice %arg8[%dma_wait3A_213, %dma_wait3A_214] : memref<256x128xf32, #tpu.memory_space<vmem>> -> memref<16x128xf32, #tpu.memory_space<vmem>>
        %dma_wait3A_216 = arith.constant 0 : i32
        %dma_wait3A_217 = arith.constant 0 : i32
        %dma_wait3A_218 = tpu.memref_slice %arg2[%dma_wait3A_216, %dma_wait3A_217] : memref<500000x128xf32, #tpu.memory_space<hbm>> -> memref<500000x128xf32, #tpu.memory_space<hbm>>
        tpu.wait_indirect_dma semaphore(%arg10 : memref<!tpu.dma_semaphore, #tpu.memory_space<semaphore_mem>>) src(%dma_wait3A_218 : memref<500000x128xf32, #tpu.memory_space<hbm>>) dst(%dma_wait3A_215 : memref<16x128xf32, #tpu.memory_space<vmem>>)
        %dma_wait3A_219 = arith.constant 64 : i32
        %dma_wait3A_220 = arith.constant 0 : i32
        %dma_wait3A_221 = tpu.memref_slice %arg8[%dma_wait3A_219, %dma_wait3A_220] : memref<256x128xf32, #tpu.memory_space<vmem>> -> memref<16x128xf32, #tpu.memory_space<vmem>>
        %dma_wait3A_222 = arith.constant 0 : i32
        %dma_wait3A_223 = arith.constant 0 : i32
        %dma_wait3A_224 = tpu.memref_slice %arg2[%dma_wait3A_222, %dma_wait3A_223] : memref<500000x128xf32, #tpu.memory_space<hbm>> -> memref<500000x128xf32, #tpu.memory_space<hbm>>
        tpu.wait_indirect_dma semaphore(%arg10 : memref<!tpu.dma_semaphore, #tpu.memory_space<semaphore_mem>>) src(%dma_wait3A_224 : memref<500000x128xf32, #tpu.memory_space<hbm>>) dst(%dma_wait3A_221 : memref<16x128xf32, #tpu.memory_space<vmem>>)
        %dma_wait3A_225 = arith.constant 80 : i32
        %dma_wait3A_226 = arith.constant 0 : i32
        %dma_wait3A_227 = tpu.memref_slice %arg8[%dma_wait3A_225, %dma_wait3A_226] : memref<256x128xf32, #tpu.memory_space<vmem>> -> memref<16x128xf32, #tpu.memory_space<vmem>>
        %dma_wait3A_228 = arith.constant 0 : i32
        %dma_wait3A_229 = arith.constant 0 : i32
        %dma_wait3A_230 = tpu.memref_slice %arg2[%dma_wait3A_228, %dma_wait3A_229] : memref<500000x128xf32, #tpu.memory_space<hbm>> -> memref<500000x128xf32, #tpu.memory_space<hbm>>
        tpu.wait_indirect_dma semaphore(%arg10 : memref<!tpu.dma_semaphore, #tpu.memory_space<semaphore_mem>>) src(%dma_wait3A_230 : memref<500000x128xf32, #tpu.memory_space<hbm>>) dst(%dma_wait3A_227 : memref<16x128xf32, #tpu.memory_space<vmem>>)
        %dma_wait3A_231 = arith.constant 96 : i32
        %dma_wait3A_232 = arith.constant 0 : i32
        %dma_wait3A_233 = tpu.memref_slice %arg8[%dma_wait3A_231, %dma_wait3A_232] : memref<256x128xf32, #tpu.memory_space<vmem>> -> memref<16x128xf32, #tpu.memory_space<vmem>>
        %dma_wait3A_234 = arith.constant 0 : i32
        %dma_wait3A_235 = arith.constant 0 : i32
        %dma_wait3A_236 = tpu.memref_slice %arg2[%dma_wait3A_234, %dma_wait3A_235] : memref<500000x128xf32, #tpu.memory_space<hbm>> -> memref<500000x128xf32, #tpu.memory_space<hbm>>
        tpu.wait_indirect_dma semaphore(%arg10 : memref<!tpu.dma_semaphore, #tpu.memory_space<semaphore_mem>>) src(%dma_wait3A_236 : memref<500000x128xf32, #tpu.memory_space<hbm>>) dst(%dma_wait3A_233 : memref<16x128xf32, #tpu.memory_space<vmem>>)
        %dma_wait3A_237 = arith.constant 112 : i32
        %dma_wait3A_238 = arith.constant 0 : i32
        %dma_wait3A_239 = tpu.memref_slice %arg8[%dma_wait3A_237, %dma_wait3A_238] : memref<256x128xf32, #tpu.memory_space<vmem>> -> memref<16x128xf32, #tpu.memory_space<vmem>>
        %dma_wait3A_240 = arith.constant 0 : i32
        %dma_wait3A_241 = arith.constant 0 : i32
        %dma_wait3A_242 = tpu.memref_slice %arg2[%dma_wait3A_240, %dma_wait3A_241] : memref<500000x128xf32, #tpu.memory_space<hbm>> -> memref<500000x128xf32, #tpu.memory_space<hbm>>
        tpu.wait_indirect_dma semaphore(%arg10 : memref<!tpu.dma_semaphore, #tpu.memory_space<semaphore_mem>>) src(%dma_wait3A_242 : memref<500000x128xf32, #tpu.memory_space<hbm>>) dst(%dma_wait3A_239 : memref<16x128xf32, #tpu.memory_space<vmem>>)
        %dma_wait3A_243 = arith.constant 128 : i32
        %dma_wait3A_244 = arith.constant 0 : i32
        %dma_wait3A_245 = tpu.memref_slice %arg8[%dma_wait3A_243, %dma_wait3A_244] : memref<256x128xf32, #tpu.memory_space<vmem>> -> memref<16x128xf32, #tpu.memory_space<vmem>>
        %dma_wait3A_246 = arith.constant 0 : i32
        %dma_wait3A_247 = arith.constant 0 : i32
        %dma_wait3A_248 = tpu.memref_slice %arg2[%dma_wait3A_246, %dma_wait3A_247] : memref<500000x128xf32, #tpu.memory_space<hbm>> -> memref<500000x128xf32, #tpu.memory_space<hbm>>
        tpu.wait_indirect_dma semaphore(%arg10 : memref<!tpu.dma_semaphore, #tpu.memory_space<semaphore_mem>>) src(%dma_wait3A_248 : memref<500000x128xf32, #tpu.memory_space<hbm>>) dst(%dma_wait3A_245 : memref<16x128xf32, #tpu.memory_space<vmem>>)
        %dma_wait3A_249 = arith.constant 144 : i32
        %dma_wait3A_250 = arith.constant 0 : i32
        %dma_wait3A_251 = tpu.memref_slice %arg8[%dma_wait3A_249, %dma_wait3A_250] : memref<256x128xf32, #tpu.memory_space<vmem>> -> memref<16x128xf32, #tpu.memory_space<vmem>>
        %dma_wait3A_252 = arith.constant 0 : i32
        %dma_wait3A_253 = arith.constant 0 : i32
        %dma_wait3A_254 = tpu.memref_slice %arg2[%dma_wait3A_252, %dma_wait3A_253] : memref<500000x128xf32, #tpu.memory_space<hbm>> -> memref<500000x128xf32, #tpu.memory_space<hbm>>
        tpu.wait_indirect_dma semaphore(%arg10 : memref<!tpu.dma_semaphore, #tpu.memory_space<semaphore_mem>>) src(%dma_wait3A_254 : memref<500000x128xf32, #tpu.memory_space<hbm>>) dst(%dma_wait3A_251 : memref<16x128xf32, #tpu.memory_space<vmem>>)
        %dma_wait3A_255 = arith.constant 160 : i32
        %dma_wait3A_256 = arith.constant 0 : i32
        %dma_wait3A_257 = tpu.memref_slice %arg8[%dma_wait3A_255, %dma_wait3A_256] : memref<256x128xf32, #tpu.memory_space<vmem>> -> memref<16x128xf32, #tpu.memory_space<vmem>>
        %dma_wait3A_258 = arith.constant 0 : i32
        %dma_wait3A_259 = arith.constant 0 : i32
        %dma_wait3A_260 = tpu.memref_slice %arg2[%dma_wait3A_258, %dma_wait3A_259] : memref<500000x128xf32, #tpu.memory_space<hbm>> -> memref<500000x128xf32, #tpu.memory_space<hbm>>
        tpu.wait_indirect_dma semaphore(%arg10 : memref<!tpu.dma_semaphore, #tpu.memory_space<semaphore_mem>>) src(%dma_wait3A_260 : memref<500000x128xf32, #tpu.memory_space<hbm>>) dst(%dma_wait3A_257 : memref<16x128xf32, #tpu.memory_space<vmem>>)
        %dma_wait3A_261 = arith.constant 176 : i32
        %dma_wait3A_262 = arith.constant 0 : i32
        %dma_wait3A_263 = tpu.memref_slice %arg8[%dma_wait3A_261, %dma_wait3A_262] : memref<256x128xf32, #tpu.memory_space<vmem>> -> memref<16x128xf32, #tpu.memory_space<vmem>>
        %dma_wait3A_264 = arith.constant 0 : i32
        %dma_wait3A_265 = arith.constant 0 : i32
        %dma_wait3A_266 = tpu.memref_slice %arg2[%dma_wait3A_264, %dma_wait3A_265] : memref<500000x128xf32, #tpu.memory_space<hbm>> -> memref<500000x128xf32, #tpu.memory_space<hbm>>
        tpu.wait_indirect_dma semaphore(%arg10 : memref<!tpu.dma_semaphore, #tpu.memory_space<semaphore_mem>>) src(%dma_wait3A_266 : memref<500000x128xf32, #tpu.memory_space<hbm>>) dst(%dma_wait3A_263 : memref<16x128xf32, #tpu.memory_space<vmem>>)
        %dma_wait3A_267 = arith.constant 192 : i32
        %dma_wait3A_268 = arith.constant 0 : i32
        %dma_wait3A_269 = tpu.memref_slice %arg8[%dma_wait3A_267, %dma_wait3A_268] : memref<256x128xf32, #tpu.memory_space<vmem>> -> memref<16x128xf32, #tpu.memory_space<vmem>>
        %dma_wait3A_270 = arith.constant 0 : i32
        %dma_wait3A_271 = arith.constant 0 : i32
        %dma_wait3A_272 = tpu.memref_slice %arg2[%dma_wait3A_270, %dma_wait3A_271] : memref<500000x128xf32, #tpu.memory_space<hbm>> -> memref<500000x128xf32, #tpu.memory_space<hbm>>
        tpu.wait_indirect_dma semaphore(%arg10 : memref<!tpu.dma_semaphore, #tpu.memory_space<semaphore_mem>>) src(%dma_wait3A_272 : memref<500000x128xf32, #tpu.memory_space<hbm>>) dst(%dma_wait3A_269 : memref<16x128xf32, #tpu.memory_space<vmem>>)
        %dma_wait3A_273 = arith.constant 208 : i32
        %dma_wait3A_274 = arith.constant 0 : i32
        %dma_wait3A_275 = tpu.memref_slice %arg8[%dma_wait3A_273, %dma_wait3A_274] : memref<256x128xf32, #tpu.memory_space<vmem>> -> memref<16x128xf32, #tpu.memory_space<vmem>>
        %dma_wait3A_276 = arith.constant 0 : i32
        %dma_wait3A_277 = arith.constant 0 : i32
        %dma_wait3A_278 = tpu.memref_slice %arg2[%dma_wait3A_276, %dma_wait3A_277] : memref<500000x128xf32, #tpu.memory_space<hbm>> -> memref<500000x128xf32, #tpu.memory_space<hbm>>
        tpu.wait_indirect_dma semaphore(%arg10 : memref<!tpu.dma_semaphore, #tpu.memory_space<semaphore_mem>>) src(%dma_wait3A_278 : memref<500000x128xf32, #tpu.memory_space<hbm>>) dst(%dma_wait3A_275 : memref<16x128xf32, #tpu.memory_space<vmem>>)
        %dma_wait3A_279 = arith.constant 224 : i32
        %dma_wait3A_280 = arith.constant 0 : i32
        %dma_wait3A_281 = tpu.memref_slice %arg8[%dma_wait3A_279, %dma_wait3A_280] : memref<256x128xf32, #tpu.memory_space<vmem>> -> memref<16x128xf32, #tpu.memory_space<vmem>>
        %dma_wait3A_282 = arith.constant 0 : i32
        %dma_wait3A_283 = arith.constant 0 : i32
        %dma_wait3A_284 = tpu.memref_slice %arg2[%dma_wait3A_282, %dma_wait3A_283] : memref<500000x128xf32, #tpu.memory_space<hbm>> -> memref<500000x128xf32, #tpu.memory_space<hbm>>
        tpu.wait_indirect_dma semaphore(%arg10 : memref<!tpu.dma_semaphore, #tpu.memory_space<semaphore_mem>>) src(%dma_wait3A_284 : memref<500000x128xf32, #tpu.memory_space<hbm>>) dst(%dma_wait3A_281 : memref<16x128xf32, #tpu.memory_space<vmem>>)
        %dma_wait3A_285 = arith.constant 240 : i32
        %dma_wait3A_286 = arith.constant 0 : i32
        %dma_wait3A_287 = tpu.memref_slice %arg8[%dma_wait3A_285, %dma_wait3A_286] : memref<256x128xf32, #tpu.memory_space<vmem>> -> memref<16x128xf32, #tpu.memory_space<vmem>>
        %dma_wait3A_288 = arith.constant 0 : i32
        %dma_wait3A_289 = arith.constant 0 : i32
        %dma_wait3A_290 = tpu.memref_slice %arg2[%dma_wait3A_288, %dma_wait3A_289] : memref<500000x128xf32, #tpu.memory_space<hbm>> -> memref<500000x128xf32, #tpu.memory_space<hbm>>
        tpu.wait_indirect_dma semaphore(%arg10 : memref<!tpu.dma_semaphore, #tpu.memory_space<semaphore_mem>>) src(%dma_wait3A_290 : memref<500000x128xf32, #tpu.memory_space<hbm>>) dst(%dma_wait3A_287 : memref<16x128xf32, #tpu.memory_space<vmem>>)
        %scan3A_291 = arith.constant 0 : i32
        %scan3A_292 = arith.constant 0 : i32
        %scan3A_293 = arith.constant 16 : i32
        %scan3A_294 = arith.addi %scan3A_292, %scan3A_293 : i32
        %scan3A_295 = arith.constant 1 : i32
        scf.for %scan3A_300 = %scan3A_292 to %scan3A_294 step %scan3A_295  : i32 {
          %mul3A_301 = arith.constant 16 : i32
          %mul3A_302 = arith.muli %scan3A_300, %mul3A_301 : i32
          %multiple_of3A_303 = tpu.assume_multiple %mul3A_302, 16 : i32
          %add3A_304 = arith.addi %multiple_of3A_21, %multiple_of3A_303 : i32
          %get3A_305 = arith.index_cast %add3A_304 : i32 to index
          %get3A_306 = tpu.vector_load %arg7[%get3A_305] {strides = array<i32>} : memref<1024xi32, #tpu.memory_space<vmem>>, vector<16xi32>,
          %get3A_307 = vector.shape_cast %get3A_306 : vector<16xi32> to vector<16xi32>
          %slice3A = vector.extract_strided_slice %get3A_307 {offsets = [0], sizes = [1], strides = [1]} : vector<16xi32> to vector<1xi32>
          %squeeze3A = vector.extract %slice3A[0] : i32 from vector<1xi32>
          %add3A_308 = arith.constant 0 : i32
          %add3A_309 = arith.addi %multiple_of3A_303, %add3A_308 : i32
          %add3A_310 = arith.constant 0 : i32
          %add3A_311 = arith.addi %squeeze3A, %add3A_310 : i32
          %get3A_312 = arith.index_cast %add3A_309 : i32 to index
          %get3A_313 = arith.index_cast %add3A_311 : i32 to index
          %get3A_314 = tpu.vector_load %arg8[%get3A_312, %get3A_313] {strides = array<i32>} : memref<256x128xf32, #tpu.memory_space<vmem>>, vector<1x16xf32>,
          %get3A_315 = vector.shape_cast %get3A_314 : vector<1x16xf32> to vector<16xf32>
          %mul3A_316 = arith.constant 8.000000e+00 : f32
          %mul3A_317 = vector.broadcast %mul3A_316 : f32 to vector<16xf32>
          %mul3A_318 = arith.mulf %get3A_315, %mul3A_317 : vector<16xf32>
          %swap3A = arith.index_cast %add3A_309 : i32 to index
          %swap3A_319 = arith.constant 0 : index
          %swap3A_320 = tpu.vector_load %arg9[%swap3A, %swap3A_319] {strides = array<i32>} : memref<256x64xf32, #tpu.memory_space<vmem>>, vector<1x16xf32>,
          %swap3A_321 = vector.shape_cast %swap3A_320 : vector<1x16xf32> to vector<16xf32>
          %swap3A_322 = vector.shape_cast %mul3A_318 : vector<16xf32> to vector<1x16xf32>
          tpu.vector_store %arg9[%swap3A, %swap3A_319], %swap3A_322 {strides = array<i32>} : memref<256x64xf32, #tpu.memory_space<vmem>>, vector<1x16xf32>,
          %add3A_323 = arith.constant 16 : i32
          %add3A_324 = arith.addi %squeeze3A, %add3A_323 : i32
          %get3A_325 = arith.index_cast %add3A_309 : i32 to index
          %get3A_326 = arith.index_cast %add3A_324 : i32 to index
          %get3A_327 = tpu.vector_load %arg8[%get3A_325, %get3A_326] {strides = array<i32>} : memref<256x128xf32, #tpu.memory_space<vmem>>, vector<1x16xf32>,
          %get3A_328 = vector.shape_cast %get3A_327 : vector<1x16xf32> to vector<16xf32>
          %mul3A_329 = arith.constant 8.000000e+00 : f32
          %mul3A_330 = vector.broadcast %mul3A_329 : f32 to vector<16xf32>
          %mul3A_331 = arith.mulf %get3A_328, %mul3A_330 : vector<16xf32>
          %swap3A_332 = arith.index_cast %add3A_309 : i32 to index
          %swap3A_333 = arith.constant 16 : index
          %swap3A_334 = tpu.vector_load %arg9[%swap3A_332, %swap3A_333] {strides = array<i32>} : memref<256x64xf32, #tpu.memory_space<vmem>>, vector<1x16xf32>,
          %swap3A_335 = vector.shape_cast %swap3A_334 : vector<1x16xf32> to vector<16xf32>
          %swap3A_336 = vector.shape_cast %mul3A_331 : vector<16xf32> to vector<1x16xf32>
          tpu.vector_store %arg9[%swap3A_332, %swap3A_333], %swap3A_336 {strides = array<i32>} : memref<256x64xf32, #tpu.memory_space<vmem>>, vector<1x16xf32>,
          %add3A_337 = arith.constant 32 : i32
          %add3A_338 = arith.addi %squeeze3A, %add3A_337 : i32
          %get3A_339 = arith.index_cast %add3A_309 : i32 to index
          %get3A_340 = arith.index_cast %add3A_338 : i32 to index
          %get3A_341 = tpu.vector_load %arg8[%get3A_339, %get3A_340] {strides = array<i32>} : memref<256x128xf32, #tpu.memory_space<vmem>>, vector<1x16xf32>,
          %get3A_342 = vector.shape_cast %get3A_341 : vector<1x16xf32> to vector<16xf32>
          %mul3A_343 = arith.constant 8.000000e+00 : f32
          %mul3A_344 = vector.broadcast %mul3A_343 : f32 to vector<16xf32>
          %mul3A_345 = arith.mulf %get3A_342, %mul3A_344 : vector<16xf32>
          %swap3A_346 = arith.index_cast %add3A_309 : i32 to index
          %swap3A_347 = arith.constant 32 : index
          %swap3A_348 = tpu.vector_load %arg9[%swap3A_346, %swap3A_347] {strides = array<i32>} : memref<256x64xf32, #tpu.memory_space<vmem>>, vector<1x16xf32>,
          %swap3A_349 = vector.shape_cast %swap3A_348 : vector<1x16xf32> to vector<16xf32>
          %swap3A_350 = vector.shape_cast %mul3A_345 : vector<16xf32> to vector<1x16xf32>
          tpu.vector_store %arg9[%swap3A_346, %swap3A_347], %swap3A_350 {strides = array<i32>} : memref<256x64xf32, #tpu.memory_space<vmem>>, vector<1x16xf32>,
          %add3A_351 = arith.constant 48 : i32
          %add3A_352 = arith.addi %squeeze3A, %add3A_351 : i32
          %get3A_353 = arith.index_cast %add3A_309 : i32 to index
          %get3A_354 = arith.index_cast %add3A_352 : i32 to index
          %get3A_355 = tpu.vector_load %arg8[%get3A_353, %get3A_354] {strides = array<i32>} : memref<256x128xf32, #tpu.memory_space<vmem>>, vector<1x16xf32>,
          %get3A_356 = vector.shape_cast %get3A_355 : vector<1x16xf32> to vector<16xf32>
          %mul3A_357 = arith.constant 8.000000e+00 : f32
          %mul3A_358 = vector.broadcast %mul3A_357 : f32 to vector<16xf32>
          %mul3A_359 = arith.mulf %get3A_356, %mul3A_358 : vector<16xf32>
          %swap3A_360 = arith.index_cast %add3A_309 : i32 to index
          %swap3A_361 = arith.constant 48 : index
          %swap3A_362 = tpu.vector_load %arg9[%swap3A_360, %swap3A_361] {strides = array<i32>} : memref<256x64xf32, #tpu.memory_space<vmem>>, vector<1x16xf32>,
          %swap3A_363 = vector.shape_cast %swap3A_362 : vector<1x16xf32> to vector<16xf32>
          %swap3A_364 = vector.shape_cast %mul3A_359 : vector<16xf32> to vector<1x16xf32>
          tpu.vector_store %arg9[%swap3A_360, %swap3A_361], %swap3A_364 {strides = array<i32>} : memref<256x64xf32, #tpu.memory_space<vmem>>, vector<1x16xf32>,
          %slice3A_365 = vector.extract_strided_slice %get3A_307 {offsets = [1], sizes = [1], strides = [1]} : vector<16xi32> to vector<1xi32>
          %squeeze3A_366 = vector.extract %slice3A_365[0] : i32 from vector<1xi32>
          %add3A_367 = arith.constant 1 : i32
          %add3A_368 = arith.addi %multiple_of3A_303, %add3A_367 : i32
          %add3A_369 = arith.constant 0 : i32
          %add3A_370 = arith.addi %squeeze3A_366, %add3A_369 : i32
          %get3A_371 = arith.index_cast %add3A_368 : i32 to index
          %get3A_372 = arith.index_cast %add3A_370 : i32 to index
          %get3A_373 = tpu.vector_load %arg8[%get3A_371, %get3A_372] {strides = array<i32>} : memref<256x128xf32, #tpu.memory_space<vmem>>, vector<1x16xf32>,
          %get3A_374 = vector.shape_cast %get3A_373 : vector<1x16xf32> to vector<16xf32>
          %mul3A_375 = arith.constant 8.000000e+00 : f32
          %mul3A_376 = vector.broadcast %mul3A_375 : f32 to vector<16xf32>
          %mul3A_377 = arith.mulf %get3A_374, %mul3A_376 : vector<16xf32>
          %swap3A_378 = arith.index_cast %add3A_368 : i32 to index
          %swap3A_379 = arith.constant 0 : index
          %swap3A_380 = tpu.vector_load %arg9[%swap3A_378, %swap3A_379] {strides = array<i32>} : memref<256x64xf32, #tpu.memory_space<vmem>>, vector<1x16xf32>,
          %swap3A_381 = vector.shape_cast %swap3A_380 : vector<1x16xf32> to vector<16xf32>
          %swap3A_382 = vector.shape_cast %mul3A_377 : vector<16xf32> to vector<1x16xf32>
          tpu.vector_store %arg9[%swap3A_378, %swap3A_379], %swap3A_382 {strides = array<i32>} : memref<256x64xf32, #tpu.memory_space<vmem>>, vector<1x16xf32>,
          %add3A_383 = arith.constant 16 : i32
          %add3A_384 = arith.addi %squeeze3A_366, %add3A_383 : i32
          %get3A_385 = arith.index_cast %add3A_368 : i32 to index
          %get3A_386 = arith.index_cast %add3A_384 : i32 to index
          %get3A_387 = tpu.vector_load %arg8[%get3A_385, %get3A_386] {strides = array<i32>} : memref<256x128xf32, #tpu.memory_space<vmem>>, vector<1x16xf32>,
          %get3A_388 = vector.shape_cast %get3A_387 : vector<1x16xf32> to vector<16xf32>
          %mul3A_389 = arith.constant 8.000000e+00 : f32
          %mul3A_390 = vector.broadcast %mul3A_389 : f32 to vector<16xf32>
          %mul3A_391 = arith.mulf %get3A_388, %mul3A_390 : vector<16xf32>
          %swap3A_392 = arith.index_cast %add3A_368 : i32 to index
          %swap3A_393 = arith.constant 16 : index
          %swap3A_394 = tpu.vector_load %arg9[%swap3A_392, %swap3A_393] {strides = array<i32>} : memref<256x64xf32, #tpu.memory_space<vmem>>, vector<1x16xf32>,
          %swap3A_395 = vector.shape_cast %swap3A_394 : vector<1x16xf32> to vector<16xf32>
          %swap3A_396 = vector.shape_cast %mul3A_391 : vector<16xf32> to vector<1x16xf32>
          tpu.vector_store %arg9[%swap3A_392, %swap3A_393], %swap3A_396 {strides = array<i32>} : memref<256x64xf32, #tpu.memory_space<vmem>>, vector<1x16xf32>,
          %add3A_397 = arith.constant 32 : i32
          %add3A_398 = arith.addi %squeeze3A_366, %add3A_397 : i32
          %get3A_399 = arith.index_cast %add3A_368 : i32 to index
          %get3A_400 = arith.index_cast %add3A_398 : i32 to index
          %get3A_401 = tpu.vector_load %arg8[%get3A_399, %get3A_400] {strides = array<i32>} : memref<256x128xf32, #tpu.memory_space<vmem>>, vector<1x16xf32>,
          %get3A_402 = vector.shape_cast %get3A_401 : vector<1x16xf32> to vector<16xf32>
          %mul3A_403 = arith.constant 8.000000e+00 : f32
          %mul3A_404 = vector.broadcast %mul3A_403 : f32 to vector<16xf32>
          %mul3A_405 = arith.mulf %get3A_402, %mul3A_404 : vector<16xf32>
          %swap3A_406 = arith.index_cast %add3A_368 : i32 to index
          %swap3A_407 = arith.constant 32 : index
          %swap3A_408 = tpu.vector_load %arg9[%swap3A_406, %swap3A_407] {strides = array<i32>} : memref<256x64xf32, #tpu.memory_space<vmem>>, vector<1x16xf32>,
          %swap3A_409 = vector.shape_cast %swap3A_408 : vector<1x16xf32> to vector<16xf32>
          %swap3A_410 = vector.shape_cast %mul3A_405 : vector<16xf32> to vector<1x16xf32>
          tpu.vector_store %arg9[%swap3A_406, %swap3A_407], %swap3A_410 {strides = array<i32>} : memref<256x64xf32, #tpu.memory_space<vmem>>, vector<1x16xf32>,
          %add3A_411 = arith.constant 48 : i32
          %add3A_412 = arith.addi %squeeze3A_366, %add3A_411 : i32
          %get3A_413 = arith.index_cast %add3A_368 : i32 to index
          %get3A_414 = arith.index_cast %add3A_412 : i32 to index
          %get3A_415 = tpu.vector_load %arg8[%get3A_413, %get3A_414] {strides = array<i32>} : memref<256x128xf32, #tpu.memory_space<vmem>>, vector<1x16xf32>,
          %get3A_416 = vector.shape_cast %get3A_415 : vector<1x16xf32> to vector<16xf32>
          %mul3A_417 = arith.constant 8.000000e+00 : f32
          %mul3A_418 = vector.broadcast %mul3A_417 : f32 to vector<16xf32>
          %mul3A_419 = arith.mulf %get3A_416, %mul3A_418 : vector<16xf32>
          %swap3A_420 = arith.index_cast %add3A_368 : i32 to index
          %swap3A_421 = arith.constant 48 : index
          %swap3A_422 = tpu.vector_load %arg9[%swap3A_420, %swap3A_421] {strides = array<i32>} : memref<256x64xf32, #tpu.memory_space<vmem>>, vector<1x16xf32>,
          %swap3A_423 = vector.shape_cast %swap3A_422 : vector<1x16xf32> to vector<16xf32>
          %swap3A_424 = vector.shape_cast %mul3A_419 : vector<16xf32> to vector<1x16xf32>
          tpu.vector_store %arg9[%swap3A_420, %swap3A_421], %swap3A_424 {strides = array<i32>} : memref<256x64xf32, #tpu.memory_space<vmem>>, vector<1x16xf32>,
          %slice3A_425 = vector.extract_strided_slice %get3A_307 {offsets = [2], sizes = [1], strides = [1]} : vector<16xi32> to vector<1xi32>
          %squeeze3A_426 = vector.extract %slice3A_425[0] : i32 from vector<1xi32>
          %add3A_427 = arith.constant 2 : i32
          %add3A_428 = arith.addi %multiple_of3A_303, %add3A_427 : i32
          %add3A_429 = arith.constant 0 : i32
          %add3A_430 = arith.addi %squeeze3A_426, %add3A_429 : i32
          %get3A_431 = arith.index_cast %add3A_428 : i32 to index
          %get3A_432 = arith.index_cast %add3A_430 : i32 to index
          %get3A_433 = tpu.vector_load %arg8[%get3A_431, %get3A_432] {strides = array<i32>} : memref<256x128xf32, #tpu.memory_space<vmem>>, vector<1x16xf32>,
          %get3A_434 = vector.shape_cast %get3A_433 : vector<1x16xf32> to vector<16xf32>
          %mul3A_435 = arith.constant 8.000000e+00 : f32
          %mul3A_436 = vector.broadcast %mul3A_435 : f32 to vector<16xf32>
          %mul3A_437 = arith.mulf %get3A_434, %mul3A_436 : vector<16xf32>
          %swap3A_438 = arith.index_cast %add3A_428 : i32 to index
          %swap3A_439 = arith.constant 0 : index
          %swap3A_440 = tpu.vector_load %arg9[%swap3A_438, %swap3A_439] {strides = array<i32>} : memref<256x64xf32, #tpu.memory_space<vmem>>, vector<1x16xf32>,
          %swap3A_441 = vector.shape_cast %swap3A_440 : vector<1x16xf32> to vector<16xf32>
          %swap3A_442 = vector.shape_cast %mul3A_437 : vector<16xf32> to vector<1x16xf32>
          tpu.vector_store %arg9[%swap3A_438, %swap3A_439], %swap3A_442 {strides = array<i32>} : memref<256x64xf32, #tpu.memory_space<vmem>>, vector<1x16xf32>,
          %add3A_443 = arith.constant 16 : i32
          %add3A_444 = arith.addi %squeeze3A_426, %add3A_443 : i32
          %get3A_445 = arith.index_cast %add3A_428 : i32 to index
          %get3A_446 = arith.index_cast %add3A_444 : i32 to index
          %get3A_447 = tpu.vector_load %arg8[%get3A_445, %get3A_446] {strides = array<i32>} : memref<256x128xf32, #tpu.memory_space<vmem>>, vector<1x16xf32>,
          %get3A_448 = vector.shape_cast %get3A_447 : vector<1x16xf32> to vector<16xf32>
          %mul3A_449 = arith.constant 8.000000e+00 : f32
          %mul3A_450 = vector.broadcast %mul3A_449 : f32 to vector<16xf32>
          %mul3A_451 = arith.mulf %get3A_448, %mul3A_450 : vector<16xf32>
          %swap3A_452 = arith.index_cast %add3A_428 : i32 to index
          %swap3A_453 = arith.constant 16 : index
          %swap3A_454 = tpu.vector_load %arg9[%swap3A_452, %swap3A_453] {strides = array<i32>} : memref<256x64xf32, #tpu.memory_space<vmem>>, vector<1x16xf32>,
          %swap3A_455 = vector.shape_cast %swap3A_454 : vector<1x16xf32> to vector<16xf32>
          %swap3A_456 = vector.shape_cast %mul3A_451 : vector<16xf32> to vector<1x16xf32>
          tpu.vector_store %arg9[%swap3A_452, %swap3A_453], %swap3A_456 {strides = array<i32>} : memref<256x64xf32, #tpu.memory_space<vmem>>, vector<1x16xf32>,
          %add3A_457 = arith.constant 32 : i32
          %add3A_458 = arith.addi %squeeze3A_426, %add3A_457 : i32
          %get3A_459 = arith.index_cast %add3A_428 : i32 to index
          %get3A_460 = arith.index_cast %add3A_458 : i32 to index
          %get3A_461 = tpu.vector_load %arg8[%get3A_459, %get3A_460] {strides = array<i32>} : memref<256x128xf32, #tpu.memory_space<vmem>>, vector<1x16xf32>,
          %get3A_462 = vector.shape_cast %get3A_461 : vector<1x16xf32> to vector<16xf32>
          %mul3A_463 = arith.constant 8.000000e+00 : f32
          %mul3A_464 = vector.broadcast %mul3A_463 : f32 to vector<16xf32>
          %mul3A_465 = arith.mulf %get3A_462, %mul3A_464 : vector<16xf32>
          %swap3A_466 = arith.index_cast %add3A_428 : i32 to index
          %swap3A_467 = arith.constant 32 : index
          %swap3A_468 = tpu.vector_load %arg9[%swap3A_466, %swap3A_467] {strides = array<i32>} : memref<256x64xf32, #tpu.memory_space<vmem>>, vector<1x16xf32>,
          %swap3A_469 = vector.shape_cast %swap3A_468 : vector<1x16xf32> to vector<16xf32>
          %swap3A_470 = vector.shape_cast %mul3A_465 : vector<16xf32> to vector<1x16xf32>
          tpu.vector_store %arg9[%swap3A_466, %swap3A_467], %swap3A_470 {strides = array<i32>} : memref<256x64xf32, #tpu.memory_space<vmem>>, vector<1x16xf32>,
          %add3A_471 = arith.constant 48 : i32
          %add3A_472 = arith.addi %squeeze3A_426, %add3A_471 : i32
          %get3A_473 = arith.index_cast %add3A_428 : i32 to index
          %get3A_474 = arith.index_cast %add3A_472 : i32 to index
          %get3A_475 = tpu.vector_load %arg8[%get3A_473, %get3A_474] {strides = array<i32>} : memref<256x128xf32, #tpu.memory_space<vmem>>, vector<1x16xf32>,
          %get3A_476 = vector.shape_cast %get3A_475 : vector<1x16xf32> to vector<16xf32>
          %mul3A_477 = arith.constant 8.000000e+00 : f32
          %mul3A_478 = vector.broadcast %mul3A_477 : f32 to vector<16xf32>
          %mul3A_479 = arith.mulf %get3A_476, %mul3A_478 : vector<16xf32>
          %swap3A_480 = arith.index_cast %add3A_428 : i32 to index
          %swap3A_481 = arith.constant 48 : index
          %swap3A_482 = tpu.vector_load %arg9[%swap3A_480, %swap3A_481] {strides = array<i32>} : memref<256x64xf32, #tpu.memory_space<vmem>>, vector<1x16xf32>,
          %swap3A_483 = vector.shape_cast %swap3A_482 : vector<1x16xf32> to vector<16xf32>
          %swap3A_484 = vector.shape_cast %mul3A_479 : vector<16xf32> to vector<1x16xf32>
          tpu.vector_store %arg9[%swap3A_480, %swap3A_481], %swap3A_484 {strides = array<i32>} : memref<256x64xf32, #tpu.memory_space<vmem>>, vector<1x16xf32>,
          %slice3A_485 = vector.extract_strided_slice %get3A_307 {offsets = [3], sizes = [1], strides = [1]} : vector<16xi32> to vector<1xi32>
          %squeeze3A_486 = vector.extract %slice3A_485[0] : i32 from vector<1xi32>
          %add3A_487 = arith.constant 3 : i32
          %add3A_488 = arith.addi %multiple_of3A_303, %add3A_487 : i32
          %add3A_489 = arith.constant 0 : i32
          %add3A_490 = arith.addi %squeeze3A_486, %add3A_489 : i32
          %get3A_491 = arith.index_cast %add3A_488 : i32 to index
          %get3A_492 = arith.index_cast %add3A_490 : i32 to index
          %get3A_493 = tpu.vector_load %arg8[%get3A_491, %get3A_492] {strides = array<i32>} : memref<256x128xf32, #tpu.memory_space<vmem>>, vector<1x16xf32>,
          %get3A_494 = vector.shape_cast %get3A_493 : vector<1x16xf32> to vector<16xf32>
          %mul3A_495 = arith.constant 8.000000e+00 : f32
          %mul3A_496 = vector.broadcast %mul3A_495 : f32 to vector<16xf32>
          %mul3A_497 = arith.mulf %get3A_494, %mul3A_496 : vector<16xf32>
          %swap3A_498 = arith.index_cast %add3A_488 : i32 to index
          %swap3A_499 = arith.constant 0 : index
          %swap3A_500 = tpu.vector_load %arg9[%swap3A_498, %swap3A_499] {strides = array<i32>} : memref<256x64xf32, #tpu.memory_space<vmem>>, vector<1x16xf32>,
          %swap3A_501 = vector.shape_cast %swap3A_500 : vector<1x16xf32> to vector<16xf32>
          %swap3A_502 = vector.shape_cast %mul3A_497 : vector<16xf32> to vector<1x16xf32>
          tpu.vector_store %arg9[%swap3A_498, %swap3A_499], %swap3A_502 {strides = array<i32>} : memref<256x64xf32, #tpu.memory_space<vmem>>, vector<1x16xf32>,
          %add3A_503 = arith.constant 16 : i32
          %add3A_504 = arith.addi %squeeze3A_486, %add3A_503 : i32
          %get3A_505 = arith.index_cast %add3A_488 : i32 to index
          %get3A_506 = arith.index_cast %add3A_504 : i32 to index
          %get3A_507 = tpu.vector_load %arg8[%get3A_505, %get3A_506] {strides = array<i32>} : memref<256x128xf32, #tpu.memory_space<vmem>>, vector<1x16xf32>,
          %get3A_508 = vector.shape_cast %get3A_507 : vector<1x16xf32> to vector<16xf32>
          %mul3A_509 = arith.constant 8.000000e+00 : f32
          %mul3A_510 = vector.broadcast %mul3A_509 : f32 to vector<16xf32>
          %mul3A_511 = arith.mulf %get3A_508, %mul3A_510 : vector<16xf32>
          %swap3A_512 = arith.index_cast %add3A_488 : i32 to index
          %swap3A_513 = arith.constant 16 : index
          %swap3A_514 = tpu.vector_load %arg9[%swap3A_512, %swap3A_513] {strides = array<i32>} : memref<256x64xf32, #tpu.memory_space<vmem>>, vector<1x16xf32>,
          %swap3A_515 = vector.shape_cast %swap3A_514 : vector<1x16xf32> to vector<16xf32>
          %swap3A_516 = vector.shape_cast %mul3A_511 : vector<16xf32> to vector<1x16xf32>
          tpu.vector_store %arg9[%swap3A_512, %swap3A_513], %swap3A_516 {strides = array<i32>} : memref<256x64xf32, #tpu.memory_space<vmem>>, vector<1x16xf32>,
          %add3A_517 = arith.constant 32 : i32
          %add3A_518 = arith.addi %squeeze3A_486, %add3A_517 : i32
          %get3A_519 = arith.index_cast %add3A_488 : i32 to index
          %get3A_520 = arith.index_cast %add3A_518 : i32 to index
          %get3A_521 = tpu.vector_load %arg8[%get3A_519, %get3A_520] {strides = array<i32>} : memref<256x128xf32, #tpu.memory_space<vmem>>, vector<1x16xf32>,
          %get3A_522 = vector.shape_cast %get3A_521 : vector<1x16xf32> to vector<16xf32>
          %mul3A_523 = arith.constant 8.000000e+00 : f32
          %mul3A_524 = vector.broadcast %mul3A_523 : f32 to vector<16xf32>
          %mul3A_525 = arith.mulf %get3A_522, %mul3A_524 : vector<16xf32>
          %swap3A_526 = arith.index_cast %add3A_488 : i32 to index
          %swap3A_527 = arith.constant 32 : index
          %swap3A_528 = tpu.vector_load %arg9[%swap3A_526, %swap3A_527] {strides = array<i32>} : memref<256x64xf32, #tpu.memory_space<vmem>>, vector<1x16xf32>,
          %swap3A_529 = vector.shape_cast %swap3A_528 : vector<1x16xf32> to vector<16xf32>
          %swap3A_530 = vector.shape_cast %mul3A_525 : vector<16xf32> to vector<1x16xf32>
          tpu.vector_store %arg9[%swap3A_526, %swap3A_527], %swap3A_530 {strides = array<i32>} : memref<256x64xf32, #tpu.memory_space<vmem>>, vector<1x16xf32>,
          %add3A_531 = arith.constant 48 : i32
          %add3A_532 = arith.addi %squeeze3A_486, %add3A_531 : i32
          %get3A_533 = arith.index_cast %add3A_488 : i32 to index
          %get3A_534 = arith.index_cast %add3A_532 : i32 to index
          %get3A_535 = tpu.vector_load %arg8[%get3A_533, %get3A_534] {strides = array<i32>} : memref<256x128xf32, #tpu.memory_space<vmem>>, vector<1x16xf32>,
          %get3A_536 = vector.shape_cast %get3A_535 : vector<1x16xf32> to vector<16xf32>
          %mul3A_537 = arith.constant 8.000000e+00 : f32
          %mul3A_538 = vector.broadcast %mul3A_537 : f32 to vector<16xf32>
          %mul3A_539 = arith.mulf %get3A_536, %mul3A_538 : vector<16xf32>
          %swap3A_540 = arith.index_cast %add3A_488 : i32 to index
          %swap3A_541 = arith.constant 48 : index
          %swap3A_542 = tpu.vector_load %arg9[%swap3A_540, %swap3A_541] {strides = array<i32>} : memref<256x64xf32, #tpu.memory_space<vmem>>, vector<1x16xf32>,
          %swap3A_543 = vector.shape_cast %swap3A_542 : vector<1x16xf32> to vector<16xf32>
          %swap3A_544 = vector.shape_cast %mul3A_539 : vector<16xf32> to vector<1x16xf32>
          tpu.vector_store %arg9[%swap3A_540, %swap3A_541], %swap3A_544 {strides = array<i32>} : memref<256x64xf32, #tpu.memory_space<vmem>>, vector<1x16xf32>,
          %slice3A_545 = vector.extract_strided_slice %get3A_307 {offsets = [4], sizes = [1], strides = [1]} : vector<16xi32> to vector<1xi32>
          %squeeze3A_546 = vector.extract %slice3A_545[0] : i32 from vector<1xi32>
          %add3A_547 = arith.constant 4 : i32
          %add3A_548 = arith.addi %multiple_of3A_303, %add3A_547 : i32
          %add3A_549 = arith.constant 0 : i32
          %add3A_550 = arith.addi %squeeze3A_546, %add3A_549 : i32
          %get3A_551 = arith.index_cast %add3A_548 : i32 to index
          %get3A_552 = arith.index_cast %add3A_550 : i32 to index
          %get3A_553 = tpu.vector_load %arg8[%get3A_551, %get3A_552] {strides = array<i32>} : memref<256x128xf32, #tpu.memory_space<vmem>>, vector<1x16xf32>,
          %get3A_554 = vector.shape_cast %get3A_553 : vector<1x16xf32> to vector<16xf32>
          %mul3A_555 = arith.constant 8.000000e+00 : f32
          %mul3A_556 = vector.broadcast %mul3A_555 : f32 to vector<16xf32>
          %mul3A_557 = arith.mulf %get3A_554, %mul3A_556 : vector<16xf32>
          %swap3A_558 = arith.index_cast %add3A_548 : i32 to index
          %swap3A_559 = arith.constant 0 : index
          %swap3A_560 = tpu.vector_load %arg9[%swap3A_558, %swap3A_559] {strides = array<i32>} : memref<256x64xf32, #tpu.memory_space<vmem>>, vector<1x16xf32>,
          %swap3A_561 = vector.shape_cast %swap3A_560 : vector<1x16xf32> to vector<16xf32>
          %swap3A_562 = vector.shape_cast %mul3A_557 : vector<16xf32> to vector<1x16xf32>
          tpu.vector_store %arg9[%swap3A_558, %swap3A_559], %swap3A_562 {strides = array<i32>} : memref<256x64xf32, #tpu.memory_space<vmem>>, vector<1x16xf32>,
          %add3A_563 = arith.constant 16 : i32
          %add3A_564 = arith.addi %squeeze3A_546, %add3A_563 : i32
          %get3A_565 = arith.index_cast %add3A_548 : i32 to index
          %get3A_566 = arith.index_cast %add3A_564 : i32 to index
          %get3A_567 = tpu.vector_load %arg8[%get3A_565, %get3A_566] {strides = array<i32>} : memref<256x128xf32, #tpu.memory_space<vmem>>, vector<1x16xf32>,
          %get3A_568 = vector.shape_cast %get3A_567 : vector<1x16xf32> to vector<16xf32>
          %mul3A_569 = arith.constant 8.000000e+00 : f32
          %mul3A_570 = vector.broadcast %mul3A_569 : f32 to vector<16xf32>
          %mul3A_571 = arith.mulf %get3A_568, %mul3A_570 : vector<16xf32>
          %swap3A_572 = arith.index_cast %add3A_548 : i32 to index
          %swap3A_573 = arith.constant 16 : index
          %swap3A_574 = tpu.vector_load %arg9[%swap3A_572, %swap3A_573] {strides = array<i32>} : memref<256x64xf32, #tpu.memory_space<vmem>>, vector<1x16xf32>,
          %swap3A_575 = vector.shape_cast %swap3A_574 : vector<1x16xf32> to vector<16xf32>
          %swap3A_576 = vector.shape_cast %mul3A_571 : vector<16xf32> to vector<1x16xf32>
          tpu.vector_store %arg9[%swap3A_572, %swap3A_573], %swap3A_576 {strides = array<i32>} : memref<256x64xf32, #tpu.memory_space<vmem>>, vector<1x16xf32>,
          %add3A_577 = arith.constant 32 : i32
          %add3A_578 = arith.addi %squeeze3A_546, %add3A_577 : i32
          %get3A_579 = arith.index_cast %add3A_548 : i32 to index
          %get3A_580 = arith.index_cast %add3A_578 : i32 to index
          %get3A_581 = tpu.vector_load %arg8[%get3A_579, %get3A_580] {strides = array<i32>} : memref<256x128xf32, #tpu.memory_space<vmem>>, vector<1x16xf32>,
          %get3A_582 = vector.shape_cast %get3A_581 : vector<1x16xf32> to vector<16xf32>
          %mul3A_583 = arith.constant 8.000000e+00 : f32
          %mul3A_584 = vector.broadcast %mul3A_583 : f32 to vector<16xf32>
          %mul3A_585 = arith.mulf %get3A_582, %mul3A_584 : vector<16xf32>
          %swap3A_586 = arith.index_cast %add3A_548 : i32 to index
          %swap3A_587 = arith.constant 32 : index
          %swap3A_588 = tpu.vector_load %arg9[%swap3A_586, %swap3A_587] {strides = array<i32>} : memref<256x64xf32, #tpu.memory_space<vmem>>, vector<1x16xf32>,
          %swap3A_589 = vector.shape_cast %swap3A_588 : vector<1x16xf32> to vector<16xf32>
          %swap3A_590 = vector.shape_cast %mul3A_585 : vector<16xf32> to vector<1x16xf32>
          tpu.vector_store %arg9[%swap3A_586, %swap3A_587], %swap3A_590 {strides = array<i32>} : memref<256x64xf32, #tpu.memory_space<vmem>>, vector<1x16xf32>,
          %add3A_591 = arith.constant 48 : i32
          %add3A_592 = arith.addi %squeeze3A_546, %add3A_591 : i32
          %get3A_593 = arith.index_cast %add3A_548 : i32 to index
          %get3A_594 = arith.index_cast %add3A_592 : i32 to index
          %get3A_595 = tpu.vector_load %arg8[%get3A_593, %get3A_594] {strides = array<i32>} : memref<256x128xf32, #tpu.memory_space<vmem>>, vector<1x16xf32>,
          %get3A_596 = vector.shape_cast %get3A_595 : vector<1x16xf32> to vector<16xf32>
          %mul3A_597 = arith.constant 8.000000e+00 : f32
          %mul3A_598 = vector.broadcast %mul3A_597 : f32 to vector<16xf32>
          %mul3A_599 = arith.mulf %get3A_596, %mul3A_598 : vector<16xf32>
          %swap3A_600 = arith.index_cast %add3A_548 : i32 to index
          %swap3A_601 = arith.constant 48 : index
          %swap3A_602 = tpu.vector_load %arg9[%swap3A_600, %swap3A_601] {strides = array<i32>} : memref<256x64xf32, #tpu.memory_space<vmem>>, vector<1x16xf32>,
          %swap3A_603 = vector.shape_cast %swap3A_602 : vector<1x16xf32> to vector<16xf32>
          %swap3A_604 = vector.shape_cast %mul3A_599 : vector<16xf32> to vector<1x16xf32>
          tpu.vector_store %arg9[%swap3A_600, %swap3A_601], %swap3A_604 {strides = array<i32>} : memref<256x64xf32, #tpu.memory_space<vmem>>, vector<1x16xf32>,
          %slice3A_605 = vector.extract_strided_slice %get3A_307 {offsets = [5], sizes = [1], strides = [1]} : vector<16xi32> to vector<1xi32>
          %squeeze3A_606 = vector.extract %slice3A_605[0] : i32 from vector<1xi32>
          %add3A_607 = arith.constant 5 : i32
          %add3A_608 = arith.addi %multiple_of3A_303, %add3A_607 : i32
          %add3A_609 = arith.constant 0 : i32
          %add3A_610 = arith.addi %squeeze3A_606, %add3A_609 : i32
          %get3A_611 = arith.index_cast %add3A_608 : i32 to index
          %get3A_612 = arith.index_cast %add3A_610 : i32 to index
          %get3A_613 = tpu.vector_load %arg8[%get3A_611, %get3A_612] {strides = array<i32>} : memref<256x128xf32, #tpu.memory_space<vmem>>, vector<1x16xf32>,
          %get3A_614 = vector.shape_cast %get3A_613 : vector<1x16xf32> to vector<16xf32>
          %mul3A_615 = arith.constant 8.000000e+00 : f32
          %mul3A_616 = vector.broadcast %mul3A_615 : f32 to vector<16xf32>
          %mul3A_617 = arith.mulf %get3A_614, %mul3A_616 : vector<16xf32>
          %swap3A_618 = arith.index_cast %add3A_608 : i32 to index
          %swap3A_619 = arith.constant 0 : index
          %swap3A_620 = tpu.vector_load %arg9[%swap3A_618, %swap3A_619] {strides = array<i32>} : memref<256x64xf32, #tpu.memory_space<vmem>>, vector<1x16xf32>,
          %swap3A_621 = vector.shape_cast %swap3A_620 : vector<1x16xf32> to vector<16xf32>
          %swap3A_622 = vector.shape_cast %mul3A_617 : vector<16xf32> to vector<1x16xf32>
          tpu.vector_store %arg9[%swap3A_618, %swap3A_619], %swap3A_622 {strides = array<i32>} : memref<256x64xf32, #tpu.memory_space<vmem>>, vector<1x16xf32>,
          %add3A_623 = arith.constant 16 : i32
          %add3A_624 = arith.addi %squeeze3A_606, %add3A_623 : i32
          %get3A_625 = arith.index_cast %add3A_608 : i32 to index
          %get3A_626 = arith.index_cast %add3A_624 : i32 to index
          %get3A_627 = tpu.vector_load %arg8[%get3A_625, %get3A_626] {strides = array<i32>} : memref<256x128xf32, #tpu.memory_space<vmem>>, vector<1x16xf32>,
          %get3A_628 = vector.shape_cast %get3A_627 : vector<1x16xf32> to vector<16xf32>
          %mul3A_629 = arith.constant 8.000000e+00 : f32
          %mul3A_630 = vector.broadcast %mul3A_629 : f32 to vector<16xf32>
          %mul3A_631 = arith.mulf %get3A_628, %mul3A_630 : vector<16xf32>
          %swap3A_632 = arith.index_cast %add3A_608 : i32 to index
          %swap3A_633 = arith.constant 16 : index
          %swap3A_634 = tpu.vector_load %arg9[%swap3A_632, %swap3A_633] {strides = array<i32>} : memref<256x64xf32, #tpu.memory_space<vmem>>, vector<1x16xf32>,
          %swap3A_635 = vector.shape_cast %swap3A_634 : vector<1x16xf32> to vector<16xf32>
          %swap3A_636 = vector.shape_cast %mul3A_631 : vector<16xf32> to vector<1x16xf32>
          tpu.vector_store %arg9[%swap3A_632, %swap3A_633], %swap3A_636 {strides = array<i32>} : memref<256x64xf32, #tpu.memory_space<vmem>>, vector<1x16xf32>,
          %add3A_637 = arith.constant 32 : i32
          %add3A_638 = arith.addi %squeeze3A_606, %add3A_637 : i32
          %get3A_639 = arith.index_cast %add3A_608 : i32 to index
          %get3A_640 = arith.index_cast %add3A_638 : i32 to index
          %get3A_641 = tpu.vector_load %arg8[%get3A_639, %get3A_640] {strides = array<i32>} : memref<256x128xf32, #tpu.memory_space<vmem>>, vector<1x16xf32>,
          %get3A_642 = vector.shape_cast %get3A_641 : vector<1x16xf32> to vector<16xf32>
          %mul3A_643 = arith.constant 8.000000e+00 : f32
          %mul3A_644 = vector.broadcast %mul3A_643 : f32 to vector<16xf32>
          %mul3A_645 = arith.mulf %get3A_642, %mul3A_644 : vector<16xf32>
          %swap3A_646 = arith.index_cast %add3A_608 : i32 to index
          %swap3A_647 = arith.constant 32 : index
          %swap3A_648 = tpu.vector_load %arg9[%swap3A_646, %swap3A_647] {strides = array<i32>} : memref<256x64xf32, #tpu.memory_space<vmem>>, vector<1x16xf32>,
          %swap3A_649 = vector.shape_cast %swap3A_648 : vector<1x16xf32> to vector<16xf32>
          %swap3A_650 = vector.shape_cast %mul3A_645 : vector<16xf32> to vector<1x16xf32>
          tpu.vector_store %arg9[%swap3A_646, %swap3A_647], %swap3A_650 {strides = array<i32>} : memref<256x64xf32, #tpu.memory_space<vmem>>, vector<1x16xf32>,
          %add3A_651 = arith.constant 48 : i32
          %add3A_652 = arith.addi %squeeze3A_606, %add3A_651 : i32
          %get3A_653 = arith.index_cast %add3A_608 : i32 to index
          %get3A_654 = arith.index_cast %add3A_652 : i32 to index
          %get3A_655 = tpu.vector_load %arg8[%get3A_653, %get3A_654] {strides = array<i32>} : memref<256x128xf32, #tpu.memory_space<vmem>>, vector<1x16xf32>,
          %get3A_656 = vector.shape_cast %get3A_655 : vector<1x16xf32> to vector<16xf32>
          %mul3A_657 = arith.constant 8.000000e+00 : f32
          %mul3A_658 = vector.broadcast %mul3A_657 : f32 to vector<16xf32>
          %mul3A_659 = arith.mulf %get3A_656, %mul3A_658 : vector<16xf32>
          %swap3A_660 = arith.index_cast %add3A_608 : i32 to index
          %swap3A_661 = arith.constant 48 : index
          %swap3A_662 = tpu.vector_load %arg9[%swap3A_660, %swap3A_661] {strides = array<i32>} : memref<256x64xf32, #tpu.memory_space<vmem>>, vector<1x16xf32>,
          %swap3A_663 = vector.shape_cast %swap3A_662 : vector<1x16xf32> to vector<16xf32>
          %swap3A_664 = vector.shape_cast %mul3A_659 : vector<16xf32> to vector<1x16xf32>
          tpu.vector_store %arg9[%swap3A_660, %swap3A_661], %swap3A_664 {strides = array<i32>} : memref<256x64xf32, #tpu.memory_space<vmem>>, vector<1x16xf32>,
          %slice3A_665 = vector.extract_strided_slice %get3A_307 {offsets = [6], sizes = [1], strides = [1]} : vector<16xi32> to vector<1xi32>
          %squeeze3A_666 = vector.extract %slice3A_665[0] : i32 from vector<1xi32>
          %add3A_667 = arith.constant 6 : i32
          %add3A_668 = arith.addi %multiple_of3A_303, %add3A_667 : i32
          %add3A_669 = arith.constant 0 : i32
          %add3A_670 = arith.addi %squeeze3A_666, %add3A_669 : i32
          %get3A_671 = arith.index_cast %add3A_668 : i32 to index
          %get3A_672 = arith.index_cast %add3A_670 : i32 to index
          %get3A_673 = tpu.vector_load %arg8[%get3A_671, %get3A_672] {strides = array<i32>} : memref<256x128xf32, #tpu.memory_space<vmem>>, vector<1x16xf32>,
          %get3A_674 = vector.shape_cast %get3A_673 : vector<1x16xf32> to vector<16xf32>
          %mul3A_675 = arith.constant 8.000000e+00 : f32
          %mul3A_676 = vector.broadcast %mul3A_675 : f32 to vector<16xf32>
          %mul3A_677 = arith.mulf %get3A_674, %mul3A_676 : vector<16xf32>
          %swap3A_678 = arith.index_cast %add3A_668 : i32 to index
          %swap3A_679 = arith.constant 0 : index
          %swap3A_680 = tpu.vector_load %arg9[%swap3A_678, %swap3A_679] {strides = array<i32>} : memref<256x64xf32, #tpu.memory_space<vmem>>, vector<1x16xf32>,
          %swap3A_681 = vector.shape_cast %swap3A_680 : vector<1x16xf32> to vector<16xf32>
          %swap3A_682 = vector.shape_cast %mul3A_677 : vector<16xf32> to vector<1x16xf32>
          tpu.vector_store %arg9[%swap3A_678, %swap3A_679], %swap3A_682 {strides = array<i32>} : memref<256x64xf32, #tpu.memory_space<vmem>>, vector<1x16xf32>,
          %add3A_683 = arith.constant 16 : i32
          %add3A_684 = arith.addi %squeeze3A_666, %add3A_683 : i32
          %get3A_685 = arith.index_cast %add3A_668 : i32 to index
          %get3A_686 = arith.index_cast %add3A_684 : i32 to index
          %get3A_687 = tpu.vector_load %arg8[%get3A_685, %get3A_686] {strides = array<i32>} : memref<256x128xf32, #tpu.memory_space<vmem>>, vector<1x16xf32>,
          %get3A_688 = vector.shape_cast %get3A_687 : vector<1x16xf32> to vector<16xf32>
          %mul3A_689 = arith.constant 8.000000e+00 : f32
          %mul3A_690 = vector.broadcast %mul3A_689 : f32 to vector<16xf32>
          %mul3A_691 = arith.mulf %get3A_688, %mul3A_690 : vector<16xf32>
          %swap3A_692 = arith.index_cast %add3A_668 : i32 to index
          %swap3A_693 = arith.constant 16 : index
          %swap3A_694 = tpu.vector_load %arg9[%swap3A_692, %swap3A_693] {strides = array<i32>} : memref<256x64xf32, #tpu.memory_space<vmem>>, vector<1x16xf32>,
          %swap3A_695 = vector.shape_cast %swap3A_694 : vector<1x16xf32> to vector<16xf32>
          %swap3A_696 = vector.shape_cast %mul3A_691 : vector<16xf32> to vector<1x16xf32>
          tpu.vector_store %arg9[%swap3A_692, %swap3A_693], %swap3A_696 {strides = array<i32>} : memref<256x64xf32, #tpu.memory_space<vmem>>, vector<1x16xf32>,
          %add3A_697 = arith.constant 32 : i32
          %add3A_698 = arith.addi %squeeze3A_666, %add3A_697 : i32
          %get3A_699 = arith.index_cast %add3A_668 : i32 to index
          %get3A_700 = arith.index_cast %add3A_698 : i32 to index
          %get3A_701 = tpu.vector_load %arg8[%get3A_699, %get3A_700] {strides = array<i32>} : memref<256x128xf32, #tpu.memory_space<vmem>>, vector<1x16xf32>,
          %get3A_702 = vector.shape_cast %get3A_701 : vector<1x16xf32> to vector<16xf32>
          %mul3A_703 = arith.constant 8.000000e+00 : f32
          %mul3A_704 = vector.broadcast %mul3A_703 : f32 to vector<16xf32>
          %mul3A_705 = arith.mulf %get3A_702, %mul3A_704 : vector<16xf32>
          %swap3A_706 = arith.index_cast %add3A_668 : i32 to index
          %swap3A_707 = arith.constant 32 : index
          %swap3A_708 = tpu.vector_load %arg9[%swap3A_706, %swap3A_707] {strides = array<i32>} : memref<256x64xf32, #tpu.memory_space<vmem>>, vector<1x16xf32>,
          %swap3A_709 = vector.shape_cast %swap3A_708 : vector<1x16xf32> to vector<16xf32>
          %swap3A_710 = vector.shape_cast %mul3A_705 : vector<16xf32> to vector<1x16xf32>
          tpu.vector_store %arg9[%swap3A_706, %swap3A_707], %swap3A_710 {strides = array<i32>} : memref<256x64xf32, #tpu.memory_space<vmem>>, vector<1x16xf32>,
          %add3A_711 = arith.constant 48 : i32
          %add3A_712 = arith.addi %squeeze3A_666, %add3A_711 : i32
          %get3A_713 = arith.index_cast %add3A_668 : i32 to index
          %get3A_714 = arith.index_cast %add3A_712 : i32 to index
          %get3A_715 = tpu.vector_load %arg8[%get3A_713, %get3A_714] {strides = array<i32>} : memref<256x128xf32, #tpu.memory_space<vmem>>, vector<1x16xf32>,
          %get3A_716 = vector.shape_cast %get3A_715 : vector<1x16xf32> to vector<16xf32>
          %mul3A_717 = arith.constant 8.000000e+00 : f32
          %mul3A_718 = vector.broadcast %mul3A_717 : f32 to vector<16xf32>
          %mul3A_719 = arith.mulf %get3A_716, %mul3A_718 : vector<16xf32>
          %swap3A_720 = arith.index_cast %add3A_668 : i32 to index
          %swap3A_721 = arith.constant 48 : index
          %swap3A_722 = tpu.vector_load %arg9[%swap3A_720, %swap3A_721] {strides = array<i32>} : memref<256x64xf32, #tpu.memory_space<vmem>>, vector<1x16xf32>,
          %swap3A_723 = vector.shape_cast %swap3A_722 : vector<1x16xf32> to vector<16xf32>
          %swap3A_724 = vector.shape_cast %mul3A_719 : vector<16xf32> to vector<1x16xf32>
          tpu.vector_store %arg9[%swap3A_720, %swap3A_721], %swap3A_724 {strides = array<i32>} : memref<256x64xf32, #tpu.memory_space<vmem>>, vector<1x16xf32>,
          %slice3A_725 = vector.extract_strided_slice %get3A_307 {offsets = [7], sizes = [1], strides = [1]} : vector<16xi32> to vector<1xi32>
          %squeeze3A_726 = vector.extract %slice3A_725[0] : i32 from vector<1xi32>
          %add3A_727 = arith.constant 7 : i32
          %add3A_728 = arith.addi %multiple_of3A_303, %add3A_727 : i32
          %add3A_729 = arith.constant 0 : i32
          %add3A_730 = arith.addi %squeeze3A_726, %add3A_729 : i32
          %get3A_731 = arith.index_cast %add3A_728 : i32 to index
          %get3A_732 = arith.index_cast %add3A_730 : i32 to index
          %get3A_733 = tpu.vector_load %arg8[%get3A_731, %get3A_732] {strides = array<i32>} : memref<256x128xf32, #tpu.memory_space<vmem>>, vector<1x16xf32>,
          %get3A_734 = vector.shape_cast %get3A_733 : vector<1x16xf32> to vector<16xf32>
          %mul3A_735 = arith.constant 8.000000e+00 : f32
          %mul3A_736 = vector.broadcast %mul3A_735 : f32 to vector<16xf32>
          %mul3A_737 = arith.mulf %get3A_734, %mul3A_736 : vector<16xf32>
          %swap3A_738 = arith.index_cast %add3A_728 : i32 to index
          %swap3A_739 = arith.constant 0 : index
          %swap3A_740 = tpu.vector_load %arg9[%swap3A_738, %swap3A_739] {strides = array<i32>} : memref<256x64xf32, #tpu.memory_space<vmem>>, vector<1x16xf32>,
          %swap3A_741 = vector.shape_cast %swap3A_740 : vector<1x16xf32> to vector<16xf32>
          %swap3A_742 = vector.shape_cast %mul3A_737 : vector<16xf32> to vector<1x16xf32>
          tpu.vector_store %arg9[%swap3A_738, %swap3A_739], %swap3A_742 {strides = array<i32>} : memref<256x64xf32, #tpu.memory_space<vmem>>, vector<1x16xf32>,
          %add3A_743 = arith.constant 16 : i32
          %add3A_744 = arith.addi %squeeze3A_726, %add3A_743 : i32
          %get3A_745 = arith.index_cast %add3A_728 : i32 to index
          %get3A_746 = arith.index_cast %add3A_744 : i32 to index
          %get3A_747 = tpu.vector_load %arg8[%get3A_745, %get3A_746] {strides = array<i32>} : memref<256x128xf32, #tpu.memory_space<vmem>>, vector<1x16xf32>,
          %get3A_748 = vector.shape_cast %get3A_747 : vector<1x16xf32> to vector<16xf32>
          %mul3A_749 = arith.constant 8.000000e+00 : f32
          %mul3A_750 = vector.broadcast %mul3A_749 : f32 to vector<16xf32>
          %mul3A_751 = arith.mulf %get3A_748, %mul3A_750 : vector<16xf32>
          %swap3A_752 = arith.index_cast %add3A_728 : i32 to index
          %swap3A_753 = arith.constant 16 : index
          %swap3A_754 = tpu.vector_load %arg9[%swap3A_752, %swap3A_753] {strides = array<i32>} : memref<256x64xf32, #tpu.memory_space<vmem>>, vector<1x16xf32>,
          %swap3A_755 = vector.shape_cast %swap3A_754 : vector<1x16xf32> to vector<16xf32>
          %swap3A_756 = vector.shape_cast %mul3A_751 : vector<16xf32> to vector<1x16xf32>
          tpu.vector_store %arg9[%swap3A_752, %swap3A_753], %swap3A_756 {strides = array<i32>} : memref<256x64xf32, #tpu.memory_space<vmem>>, vector<1x16xf32>,
          %add3A_757 = arith.constant 32 : i32
          %add3A_758 = arith.addi %squeeze3A_726, %add3A_757 : i32
          %get3A_759 = arith.index_cast %add3A_728 : i32 to index
          %get3A_760 = arith.index_cast %add3A_758 : i32 to index
          %get3A_761 = tpu.vector_load %arg8[%get3A_759, %get3A_760] {strides = array<i32>} : memref<256x128xf32, #tpu.memory_space<vmem>>, vector<1x16xf32>,
          %get3A_762 = vector.shape_cast %get3A_761 : vector<1x16xf32> to vector<16xf32>
          %mul3A_763 = arith.constant 8.000000e+00 : f32
          %mul3A_764 = vector.broadcast %mul3A_763 : f32 to vector<16xf32>
          %mul3A_765 = arith.mulf %get3A_762, %mul3A_764 : vector<16xf32>
          %swap3A_766 = arith.index_cast %add3A_728 : i32 to index
          %swap3A_767 = arith.constant 32 : index
          %swap3A_768 = tpu.vector_load %arg9[%swap3A_766, %swap3A_767] {strides = array<i32>} : memref<256x64xf32, #tpu.memory_space<vmem>>, vector<1x16xf32>,
          %swap3A_769 = vector.shape_cast %swap3A_768 : vector<1x16xf32> to vector<16xf32>
          %swap3A_770 = vector.shape_cast %mul3A_765 : vector<16xf32> to vector<1x16xf32>
          tpu.vector_store %arg9[%swap3A_766, %swap3A_767], %swap3A_770 {strides = array<i32>} : memref<256x64xf32, #tpu.memory_space<vmem>>, vector<1x16xf32>,
          %add3A_771 = arith.constant 48 : i32
          %add3A_772 = arith.addi %squeeze3A_726, %add3A_771 : i32
          %get3A_773 = arith.index_cast %add3A_728 : i32 to index
          %get3A_774 = arith.index_cast %add3A_772 : i32 to index
          %get3A_775 = tpu.vector_load %arg8[%get3A_773, %get3A_774] {strides = array<i32>} : memref<256x128xf32, #tpu.memory_space<vmem>>, vector<1x16xf32>,
          %get3A_776 = vector.shape_cast %get3A_775 : vector<1x16xf32> to vector<16xf32>
          %mul3A_777 = arith.constant 8.000000e+00 : f32
          %mul3A_778 = vector.broadcast %mul3A_777 : f32 to vector<16xf32>
          %mul3A_779 = arith.mulf %get3A_776, %mul3A_778 : vector<16xf32>
          %swap3A_780 = arith.index_cast %add3A_728 : i32 to index
          %swap3A_781 = arith.constant 48 : index
          %swap3A_782 = tpu.vector_load %arg9[%swap3A_780, %swap3A_781] {strides = array<i32>} : memref<256x64xf32, #tpu.memory_space<vmem>>, vector<1x16xf32>,
          %swap3A_783 = vector.shape_cast %swap3A_782 : vector<1x16xf32> to vector<16xf32>
          %swap3A_784 = vector.shape_cast %mul3A_779 : vector<16xf32> to vector<1x16xf32>
          tpu.vector_store %arg9[%swap3A_780, %swap3A_781], %swap3A_784 {strides = array<i32>} : memref<256x64xf32, #tpu.memory_space<vmem>>, vector<1x16xf32>,
          %slice3A_785 = vector.extract_strided_slice %get3A_307 {offsets = [8], sizes = [1], strides = [1]} : vector<16xi32> to vector<1xi32>
          %squeeze3A_786 = vector.extract %slice3A_785[0] : i32 from vector<1xi32>
          %add3A_787 = arith.constant 8 : i32
          %add3A_788 = arith.addi %multiple_of3A_303, %add3A_787 : i32
          %add3A_789 = arith.constant 0 : i32
          %add3A_790 = arith.addi %squeeze3A_786, %add3A_789 : i32
          %get3A_791 = arith.index_cast %add3A_788 : i32 to index
          %get3A_792 = arith.index_cast %add3A_790 : i32 to index
          %get3A_793 = tpu.vector_load %arg8[%get3A_791, %get3A_792] {strides = array<i32>} : memref<256x128xf32, #tpu.memory_space<vmem>>, vector<1x16xf32>,
          %get3A_794 = vector.shape_cast %get3A_793 : vector<1x16xf32> to vector<16xf32>
          %mul3A_795 = arith.constant 8.000000e+00 : f32
          %mul3A_796 = vector.broadcast %mul3A_795 : f32 to vector<16xf32>
          %mul3A_797 = arith.mulf %get3A_794, %mul3A_796 : vector<16xf32>
          %swap3A_798 = arith.index_cast %add3A_788 : i32 to index
          %swap3A_799 = arith.constant 0 : index
          %swap3A_800 = tpu.vector_load %arg9[%swap3A_798, %swap3A_799] {strides = array<i32>} : memref<256x64xf32, #tpu.memory_space<vmem>>, vector<1x16xf32>,
          %swap3A_801 = vector.shape_cast %swap3A_800 : vector<1x16xf32> to vector<16xf32>
          %swap3A_802 = vector.shape_cast %mul3A_797 : vector<16xf32> to vector<1x16xf32>
          tpu.vector_store %arg9[%swap3A_798, %swap3A_799], %swap3A_802 {strides = array<i32>} : memref<256x64xf32, #tpu.memory_space<vmem>>, vector<1x16xf32>,
          %add3A_803 = arith.constant 16 : i32
          %add3A_804 = arith.addi %squeeze3A_786, %add3A_803 : i32
          %get3A_805 = arith.index_cast %add3A_788 : i32 to index
          %get3A_806 = arith.index_cast %add3A_804 : i32 to index
          %get3A_807 = tpu.vector_load %arg8[%get3A_805, %get3A_806] {strides = array<i32>} : memref<256x128xf32, #tpu.memory_space<vmem>>, vector<1x16xf32>,
          %get3A_808 = vector.shape_cast %get3A_807 : vector<1x16xf32> to vector<16xf32>
          %mul3A_809 = arith.constant 8.000000e+00 : f32
          %mul3A_810 = vector.broadcast %mul3A_809 : f32 to vector<16xf32>
          %mul3A_811 = arith.mulf %get3A_808, %mul3A_810 : vector<16xf32>
          %swap3A_812 = arith.index_cast %add3A_788 : i32 to index
          %swap3A_813 = arith.constant 16 : index
          %swap3A_814 = tpu.vector_load %arg9[%swap3A_812, %swap3A_813] {strides = array<i32>} : memref<256x64xf32, #tpu.memory_space<vmem>>, vector<1x16xf32>,
          %swap3A_815 = vector.shape_cast %swap3A_814 : vector<1x16xf32> to vector<16xf32>
          %swap3A_816 = vector.shape_cast %mul3A_811 : vector<16xf32> to vector<1x16xf32>
          tpu.vector_store %arg9[%swap3A_812, %swap3A_813], %swap3A_816 {strides = array<i32>} : memref<256x64xf32, #tpu.memory_space<vmem>>, vector<1x16xf32>,
          %add3A_817 = arith.constant 32 : i32
          %add3A_818 = arith.addi %squeeze3A_786, %add3A_817 : i32
          %get3A_819 = arith.index_cast %add3A_788 : i32 to index
          %get3A_820 = arith.index_cast %add3A_818 : i32 to index
          %get3A_821 = tpu.vector_load %arg8[%get3A_819, %get3A_820] {strides = array<i32>} : memref<256x128xf32, #tpu.memory_space<vmem>>, vector<1x16xf32>,
          %get3A_822 = vector.shape_cast %get3A_821 : vector<1x16xf32> to vector<16xf32>
          %mul3A_823 = arith.constant 8.000000e+00 : f32
          %mul3A_824 = vector.broadcast %mul3A_823 : f32 to vector<16xf32>
          %mul3A_825 = arith.mulf %get3A_822, %mul3A_824 : vector<16xf32>
          %swap3A_826 = arith.index_cast %add3A_788 : i32 to index
          %swap3A_827 = arith.constant 32 : index
          %swap3A_828 = tpu.vector_load %arg9[%swap3A_826, %swap3A_827] {strides = array<i32>} : memref<256x64xf32, #tpu.memory_space<vmem>>, vector<1x16xf32>,
          %swap3A_829 = vector.shape_cast %swap3A_828 : vector<1x16xf32> to vector<16xf32>
          %swap3A_830 = vector.shape_cast %mul3A_825 : vector<16xf32> to vector<1x16xf32>
          tpu.vector_store %arg9[%swap3A_826, %swap3A_827], %swap3A_830 {strides = array<i32>} : memref<256x64xf32, #tpu.memory_space<vmem>>, vector<1x16xf32>,
          %add3A_831 = arith.constant 48 : i32
          %add3A_832 = arith.addi %squeeze3A_786, %add3A_831 : i32
          %get3A_833 = arith.index_cast %add3A_788 : i32 to index
          %get3A_834 = arith.index_cast %add3A_832 : i32 to index
          %get3A_835 = tpu.vector_load %arg8[%get3A_833, %get3A_834] {strides = array<i32>} : memref<256x128xf32, #tpu.memory_space<vmem>>, vector<1x16xf32>,
          %get3A_836 = vector.shape_cast %get3A_835 : vector<1x16xf32> to vector<16xf32>
          %mul3A_837 = arith.constant 8.000000e+00 : f32
          %mul3A_838 = vector.broadcast %mul3A_837 : f32 to vector<16xf32>
          %mul3A_839 = arith.mulf %get3A_836, %mul3A_838 : vector<16xf32>
          %swap3A_840 = arith.index_cast %add3A_788 : i32 to index
          %swap3A_841 = arith.constant 48 : index
          %swap3A_842 = tpu.vector_load %arg9[%swap3A_840, %swap3A_841] {strides = array<i32>} : memref<256x64xf32, #tpu.memory_space<vmem>>, vector<1x16xf32>,
          %swap3A_843 = vector.shape_cast %swap3A_842 : vector<1x16xf32> to vector<16xf32>
          %swap3A_844 = vector.shape_cast %mul3A_839 : vector<16xf32> to vector<1x16xf32>
          tpu.vector_store %arg9[%swap3A_840, %swap3A_841], %swap3A_844 {strides = array<i32>} : memref<256x64xf32, #tpu.memory_space<vmem>>, vector<1x16xf32>,
          %slice3A_845 = vector.extract_strided_slice %get3A_307 {offsets = [9], sizes = [1], strides = [1]} : vector<16xi32> to vector<1xi32>
          %squeeze3A_846 = vector.extract %slice3A_845[0] : i32 from vector<1xi32>
          %add3A_847 = arith.constant 9 : i32
          %add3A_848 = arith.addi %multiple_of3A_303, %add3A_847 : i32
          %add3A_849 = arith.constant 0 : i32
          %add3A_850 = arith.addi %squeeze3A_846, %add3A_849 : i32
          %get3A_851 = arith.index_cast %add3A_848 : i32 to index
          %get3A_852 = arith.index_cast %add3A_850 : i32 to index
          %get3A_853 = tpu.vector_load %arg8[%get3A_851, %get3A_852] {strides = array<i32>} : memref<256x128xf32, #tpu.memory_space<vmem>>, vector<1x16xf32>,
          %get3A_854 = vector.shape_cast %get3A_853 : vector<1x16xf32> to vector<16xf32>
          %mul3A_855 = arith.constant 8.000000e+00 : f32
          %mul3A_856 = vector.broadcast %mul3A_855 : f32 to vector<16xf32>
          %mul3A_857 = arith.mulf %get3A_854, %mul3A_856 : vector<16xf32>
          %swap3A_858 = arith.index_cast %add3A_848 : i32 to index
          %swap3A_859 = arith.constant 0 : index
          %swap3A_860 = tpu.vector_load %arg9[%swap3A_858, %swap3A_859] {strides = array<i32>} : memref<256x64xf32, #tpu.memory_space<vmem>>, vector<1x16xf32>,
          %swap3A_861 = vector.shape_cast %swap3A_860 : vector<1x16xf32> to vector<16xf32>
          %swap3A_862 = vector.shape_cast %mul3A_857 : vector<16xf32> to vector<1x16xf32>
          tpu.vector_store %arg9[%swap3A_858, %swap3A_859], %swap3A_862 {strides = array<i32>} : memref<256x64xf32, #tpu.memory_space<vmem>>, vector<1x16xf32>,
          %add3A_863 = arith.constant 16 : i32
          %add3A_864 = arith.addi %squeeze3A_846, %add3A_863 : i32
          %get3A_865 = arith.index_cast %add3A_848 : i32 to index
          %get3A_866 = arith.index_cast %add3A_864 : i32 to index
          %get3A_867 = tpu.vector_load %arg8[%get3A_865, %get3A_866] {strides = array<i32>} : memref<256x128xf32, #tpu.memory_space<vmem>>, vector<1x16xf32>,
          %get3A_868 = vector.shape_cast %get3A_867 : vector<1x16xf32> to vector<16xf32>
          %mul3A_869 = arith.constant 8.000000e+00 : f32
          %mul3A_870 = vector.broadcast %mul3A_869 : f32 to vector<16xf32>
          %mul3A_871 = arith.mulf %get3A_868, %mul3A_870 : vector<16xf32>
          %swap3A_872 = arith.index_cast %add3A_848 : i32 to index
          %swap3A_873 = arith.constant 16 : index
          %swap3A_874 = tpu.vector_load %arg9[%swap3A_872, %swap3A_873] {strides = array<i32>} : memref<256x64xf32, #tpu.memory_space<vmem>>, vector<1x16xf32>,
          %swap3A_875 = vector.shape_cast %swap3A_874 : vector<1x16xf32> to vector<16xf32>
          %swap3A_876 = vector.shape_cast %mul3A_871 : vector<16xf32> to vector<1x16xf32>
          tpu.vector_store %arg9[%swap3A_872, %swap3A_873], %swap3A_876 {strides = array<i32>} : memref<256x64xf32, #tpu.memory_space<vmem>>, vector<1x16xf32>,
          %add3A_877 = arith.constant 32 : i32
          %add3A_878 = arith.addi %squeeze3A_846, %add3A_877 : i32
          %get3A_879 = arith.index_cast %add3A_848 : i32 to index
          %get3A_880 = arith.index_cast %add3A_878 : i32 to index
          %get3A_881 = tpu.vector_load %arg8[%get3A_879, %get3A_880] {strides = array<i32>} : memref<256x128xf32, #tpu.memory_space<vmem>>, vector<1x16xf32>,
          %get3A_882 = vector.shape_cast %get3A_881 : vector<1x16xf32> to vector<16xf32>
          %mul3A_883 = arith.constant 8.000000e+00 : f32
          %mul3A_884 = vector.broadcast %mul3A_883 : f32 to vector<16xf32>
          %mul3A_885 = arith.mulf %get3A_882, %mul3A_884 : vector<16xf32>
          %swap3A_886 = arith.index_cast %add3A_848 : i32 to index
          %swap3A_887 = arith.constant 32 : index
          %swap3A_888 = tpu.vector_load %arg9[%swap3A_886, %swap3A_887] {strides = array<i32>} : memref<256x64xf32, #tpu.memory_space<vmem>>, vector<1x16xf32>,
          %swap3A_889 = vector.shape_cast %swap3A_888 : vector<1x16xf32> to vector<16xf32>
          %swap3A_890 = vector.shape_cast %mul3A_885 : vector<16xf32> to vector<1x16xf32>
          tpu.vector_store %arg9[%swap3A_886, %swap3A_887], %swap3A_890 {strides = array<i32>} : memref<256x64xf32, #tpu.memory_space<vmem>>, vector<1x16xf32>,
          %add3A_891 = arith.constant 48 : i32
          %add3A_892 = arith.addi %squeeze3A_846, %add3A_891 : i32
          %get3A_893 = arith.index_cast %add3A_848 : i32 to index
          %get3A_894 = arith.index_cast %add3A_892 : i32 to index
          %get3A_895 = tpu.vector_load %arg8[%get3A_893, %get3A_894] {strides = array<i32>} : memref<256x128xf32, #tpu.memory_space<vmem>>, vector<1x16xf32>,
          %get3A_896 = vector.shape_cast %get3A_895 : vector<1x16xf32> to vector<16xf32>
          %mul3A_897 = arith.constant 8.000000e+00 : f32
          %mul3A_898 = vector.broadcast %mul3A_897 : f32 to vector<16xf32>
          %mul3A_899 = arith.mulf %get3A_896, %mul3A_898 : vector<16xf32>
          %swap3A_900 = arith.index_cast %add3A_848 : i32 to index
          %swap3A_901 = arith.constant 48 : index
          %swap3A_902 = tpu.vector_load %arg9[%swap3A_900, %swap3A_901] {strides = array<i32>} : memref<256x64xf32, #tpu.memory_space<vmem>>, vector<1x16xf32>,
          %swap3A_903 = vector.shape_cast %swap3A_902 : vector<1x16xf32> to vector<16xf32>
          %swap3A_904 = vector.shape_cast %mul3A_899 : vector<16xf32> to vector<1x16xf32>
          tpu.vector_store %arg9[%swap3A_900, %swap3A_901], %swap3A_904 {strides = array<i32>} : memref<256x64xf32, #tpu.memory_space<vmem>>, vector<1x16xf32>,
          %slice3A_905 = vector.extract_strided_slice %get3A_307 {offsets = [10], sizes = [1], strides = [1]} : vector<16xi32> to vector<1xi32>
          %squeeze3A_906 = vector.extract %slice3A_905[0] : i32 from vector<1xi32>
          %add3A_907 = arith.constant 10 : i32
          %add3A_908 = arith.addi %multiple_of3A_303, %add3A_907 : i32
          %add3A_909 = arith.constant 0 : i32
          %add3A_910 = arith.addi %squeeze3A_906, %add3A_909 : i32
          %get3A_911 = arith.index_cast %add3A_908 : i32 to index
          %get3A_912 = arith.index_cast %add3A_910 : i32 to index
          %get3A_913 = tpu.vector_load %arg8[%get3A_911, %get3A_912] {strides = array<i32>} : memref<256x128xf32, #tpu.memory_space<vmem>>, vector<1x16xf32>,
          %get3A_914 = vector.shape_cast %get3A_913 : vector<1x16xf32> to vector<16xf32>
          %mul3A_915 = arith.constant 8.000000e+00 : f32
          %mul3A_916 = vector.broadcast %mul3A_915 : f32 to vector<16xf32>
          %mul3A_917 = arith.mulf %get3A_914, %mul3A_916 : vector<16xf32>
          %swap3A_918 = arith.index_cast %add3A_908 : i32 to index
          %swap3A_919 = arith.constant 0 : index
          %swap3A_920 = tpu.vector_load %arg9[%swap3A_918, %swap3A_919] {strides = array<i32>} : memref<256x64xf32, #tpu.memory_space<vmem>>, vector<1x16xf32>,
          %swap3A_921 = vector.shape_cast %swap3A_920 : vector<1x16xf32> to vector<16xf32>
          %swap3A_922 = vector.shape_cast %mul3A_917 : vector<16xf32> to vector<1x16xf32>
          tpu.vector_store %arg9[%swap3A_918, %swap3A_919], %swap3A_922 {strides = array<i32>} : memref<256x64xf32, #tpu.memory_space<vmem>>, vector<1x16xf32>,
          %add3A_923 = arith.constant 16 : i32
          %add3A_924 = arith.addi %squeeze3A_906, %add3A_923 : i32
          %get3A_925 = arith.index_cast %add3A_908 : i32 to index
          %get3A_926 = arith.index_cast %add3A_924 : i32 to index
          %get3A_927 = tpu.vector_load %arg8[%get3A_925, %get3A_926] {strides = array<i32>} : memref<256x128xf32, #tpu.memory_space<vmem>>, vector<1x16xf32>,
          %get3A_928 = vector.shape_cast %get3A_927 : vector<1x16xf32> to vector<16xf32>
          %mul3A_929 = arith.constant 8.000000e+00 : f32
          %mul3A_930 = vector.broadcast %mul3A_929 : f32 to vector<16xf32>
          %mul3A_931 = arith.mulf %get3A_928, %mul3A_930 : vector<16xf32>
          %swap3A_932 = arith.index_cast %add3A_908 : i32 to index
          %swap3A_933 = arith.constant 16 : index
          %swap3A_934 = tpu.vector_load %arg9[%swap3A_932, %swap3A_933] {strides = array<i32>} : memref<256x64xf32, #tpu.memory_space<vmem>>, vector<1x16xf32>,
          %swap3A_935 = vector.shape_cast %swap3A_934 : vector<1x16xf32> to vector<16xf32>
          %swap3A_936 = vector.shape_cast %mul3A_931 : vector<16xf32> to vector<1x16xf32>
          tpu.vector_store %arg9[%swap3A_932, %swap3A_933], %swap3A_936 {strides = array<i32>} : memref<256x64xf32, #tpu.memory_space<vmem>>, vector<1x16xf32>,
          %add3A_937 = arith.constant 32 : i32
          %add3A_938 = arith.addi %squeeze3A_906, %add3A_937 : i32
          %get3A_939 = arith.index_cast %add3A_908 : i32 to index
          %get3A_940 = arith.index_cast %add3A_938 : i32 to index
          %get3A_941 = tpu.vector_load %arg8[%get3A_939, %get3A_940] {strides = array<i32>} : memref<256x128xf32, #tpu.memory_space<vmem>>, vector<1x16xf32>,
          %get3A_942 = vector.shape_cast %get3A_941 : vector<1x16xf32> to vector<16xf32>
          %mul3A_943 = arith.constant 8.000000e+00 : f32
          %mul3A_944 = vector.broadcast %mul3A_943 : f32 to vector<16xf32>
          %mul3A_945 = arith.mulf %get3A_942, %mul3A_944 : vector<16xf32>
          %swap3A_946 = arith.index_cast %add3A_908 : i32 to index
          %swap3A_947 = arith.constant 32 : index
          %swap3A_948 = tpu.vector_load %arg9[%swap3A_946, %swap3A_947] {strides = array<i32>} : memref<256x64xf32, #tpu.memory_space<vmem>>, vector<1x16xf32>,
          %swap3A_949 = vector.shape_cast %swap3A_948 : vector<1x16xf32> to vector<16xf32>
          %swap3A_950 = vector.shape_cast %mul3A_945 : vector<16xf32> to vector<1x16xf32>
          tpu.vector_store %arg9[%swap3A_946, %swap3A_947], %swap3A_950 {strides = array<i32>} : memref<256x64xf32, #tpu.memory_space<vmem>>, vector<1x16xf32>,
          %add3A_951 = arith.constant 48 : i32
          %add3A_952 = arith.addi %squeeze3A_906, %add3A_951 : i32
          %get3A_953 = arith.index_cast %add3A_908 : i32 to index
          %get3A_954 = arith.index_cast %add3A_952 : i32 to index
          %get3A_955 = tpu.vector_load %arg8[%get3A_953, %get3A_954] {strides = array<i32>} : memref<256x128xf32, #tpu.memory_space<vmem>>, vector<1x16xf32>,
          %get3A_956 = vector.shape_cast %get3A_955 : vector<1x16xf32> to vector<16xf32>
          %mul3A_957 = arith.constant 8.000000e+00 : f32
          %mul3A_958 = vector.broadcast %mul3A_957 : f32 to vector<16xf32>
          %mul3A_959 = arith.mulf %get3A_956, %mul3A_958 : vector<16xf32>
          %swap3A_960 = arith.index_cast %add3A_908 : i32 to index
          %swap3A_961 = arith.constant 48 : index
          %swap3A_962 = tpu.vector_load %arg9[%swap3A_960, %swap3A_961] {strides = array<i32>} : memref<256x64xf32, #tpu.memory_space<vmem>>, vector<1x16xf32>,
          %swap3A_963 = vector.shape_cast %swap3A_962 : vector<1x16xf32> to vector<16xf32>
          %swap3A_964 = vector.shape_cast %mul3A_959 : vector<16xf32> to vector<1x16xf32>
          tpu.vector_store %arg9[%swap3A_960, %swap3A_961], %swap3A_964 {strides = array<i32>} : memref<256x64xf32, #tpu.memory_space<vmem>>, vector<1x16xf32>,
          %slice3A_965 = vector.extract_strided_slice %get3A_307 {offsets = [11], sizes = [1], strides = [1]} : vector<16xi32> to vector<1xi32>
          %squeeze3A_966 = vector.extract %slice3A_965[0] : i32 from vector<1xi32>
          %add3A_967 = arith.constant 11 : i32
          %add3A_968 = arith.addi %multiple_of3A_303, %add3A_967 : i32
          %add3A_969 = arith.constant 0 : i32
          %add3A_970 = arith.addi %squeeze3A_966, %add3A_969 : i32
          %get3A_971 = arith.index_cast %add3A_968 : i32 to index
          %get3A_972 = arith.index_cast %add3A_970 : i32 to index
          %get3A_973 = tpu.vector_load %arg8[%get3A_971, %get3A_972] {strides = array<i32>} : memref<256x128xf32, #tpu.memory_space<vmem>>, vector<1x16xf32>,
          %get3A_974 = vector.shape_cast %get3A_973 : vector<1x16xf32> to vector<16xf32>
          %mul3A_975 = arith.constant 8.000000e+00 : f32
          %mul3A_976 = vector.broadcast %mul3A_975 : f32 to vector<16xf32>
          %mul3A_977 = arith.mulf %get3A_974, %mul3A_976 : vector<16xf32>
          %swap3A_978 = arith.index_cast %add3A_968 : i32 to index
          %swap3A_979 = arith.constant 0 : index
          %swap3A_980 = tpu.vector_load %arg9[%swap3A_978, %swap3A_979] {strides = array<i32>} : memref<256x64xf32, #tpu.memory_space<vmem>>, vector<1x16xf32>,
          %swap3A_981 = vector.shape_cast %swap3A_980 : vector<1x16xf32> to vector<16xf32>
          %swap3A_982 = vector.shape_cast %mul3A_977 : vector<16xf32> to vector<1x16xf32>
          tpu.vector_store %arg9[%swap3A_978, %swap3A_979], %swap3A_982 {strides = array<i32>} : memref<256x64xf32, #tpu.memory_space<vmem>>, vector<1x16xf32>,
          %add3A_983 = arith.constant 16 : i32
          %add3A_984 = arith.addi %squeeze3A_966, %add3A_983 : i32
          %get3A_985 = arith.index_cast %add3A_968 : i32 to index
          %get3A_986 = arith.index_cast %add3A_984 : i32 to index
          %get3A_987 = tpu.vector_load %arg8[%get3A_985, %get3A_986] {strides = array<i32>} : memref<256x128xf32, #tpu.memory_space<vmem>>, vector<1x16xf32>,
          %get3A_988 = vector.shape_cast %get3A_987 : vector<1x16xf32> to vector<16xf32>
          %mul3A_989 = arith.constant 8.000000e+00 : f32
          %mul3A_990 = vector.broadcast %mul3A_989 : f32 to vector<16xf32>
          %mul3A_991 = arith.mulf %get3A_988, %mul3A_990 : vector<16xf32>
          %swap3A_992 = arith.index_cast %add3A_968 : i32 to index
          %swap3A_993 = arith.constant 16 : index
          %swap3A_994 = tpu.vector_load %arg9[%swap3A_992, %swap3A_993] {strides = array<i32>} : memref<256x64xf32, #tpu.memory_space<vmem>>, vector<1x16xf32>,
          %swap3A_995 = vector.shape_cast %swap3A_994 : vector<1x16xf32> to vector<16xf32>
          %swap3A_996 = vector.shape_cast %mul3A_991 : vector<16xf32> to vector<1x16xf32>
          tpu.vector_store %arg9[%swap3A_992, %swap3A_993], %swap3A_996 {strides = array<i32>} : memref<256x64xf32, #tpu.memory_space<vmem>>, vector<1x16xf32>,
          %add3A_997 = arith.constant 32 : i32
          %add3A_998 = arith.addi %squeeze3A_966, %add3A_997 : i32
          %get3A_999 = arith.index_cast %add3A_968 : i32 to index
          %get3A_1000 = arith.index_cast %add3A_998 : i32 to index
          %get3A_1001 = tpu.vector_load %arg8[%get3A_999, %get3A_1000] {strides = array<i32>} : memref<256x128xf32, #tpu.memory_space<vmem>>, vector<1x16xf32>,
          %get3A_1002 = vector.shape_cast %get3A_1001 : vector<1x16xf32> to vector<16xf32>
          %mul3A_1003 = arith.constant 8.000000e+00 : f32
          %mul3A_1004 = vector.broadcast %mul3A_1003 : f32 to vector<16xf32>
          %mul3A_1005 = arith.mulf %get3A_1002, %mul3A_1004 : vector<16xf32>
          %swap3A_1006 = arith.index_cast %add3A_968 : i32 to index
          %swap3A_1007 = arith.constant 32 : index
          %swap3A_1008 = tpu.vector_load %arg9[%swap3A_1006, %swap3A_1007] {strides = array<i32>} : memref<256x64xf32, #tpu.memory_space<vmem>>, vector<1x16xf32>,
          %swap3A_1009 = vector.shape_cast %swap3A_1008 : vector<1x16xf32> to vector<16xf32>
          %swap3A_1010 = vector.shape_cast %mul3A_1005 : vector<16xf32> to vector<1x16xf32>
          tpu.vector_store %arg9[%swap3A_1006, %swap3A_1007], %swap3A_1010 {strides = array<i32>} : memref<256x64xf32, #tpu.memory_space<vmem>>, vector<1x16xf32>,
          %add3A_1011 = arith.constant 48 : i32
          %add3A_1012 = arith.addi %squeeze3A_966, %add3A_1011 : i32
          %get3A_1013 = arith.index_cast %add3A_968 : i32 to index
          %get3A_1014 = arith.index_cast %add3A_1012 : i32 to index
          %get3A_1015 = tpu.vector_load %arg8[%get3A_1013, %get3A_1014] {strides = array<i32>} : memref<256x128xf32, #tpu.memory_space<vmem>>, vector<1x16xf32>,
          %get3A_1016 = vector.shape_cast %get3A_1015 : vector<1x16xf32> to vector<16xf32>
          %mul3A_1017 = arith.constant 8.000000e+00 : f32
          %mul3A_1018 = vector.broadcast %mul3A_1017 : f32 to vector<16xf32>
          %mul3A_1019 = arith.mulf %get3A_1016, %mul3A_1018 : vector<16xf32>
          %swap3A_1020 = arith.index_cast %add3A_968 : i32 to index
          %swap3A_1021 = arith.constant 48 : index
          %swap3A_1022 = tpu.vector_load %arg9[%swap3A_1020, %swap3A_1021] {strides = array<i32>} : memref<256x64xf32, #tpu.memory_space<vmem>>, vector<1x16xf32>,
          %swap3A_1023 = vector.shape_cast %swap3A_1022 : vector<1x16xf32> to vector<16xf32>
          %swap3A_1024 = vector.shape_cast %mul3A_1019 : vector<16xf32> to vector<1x16xf32>
          tpu.vector_store %arg9[%swap3A_1020, %swap3A_1021], %swap3A_1024 {strides = array<i32>} : memref<256x64xf32, #tpu.memory_space<vmem>>, vector<1x16xf32>,
          %slice3A_1025 = vector.extract_strided_slice %get3A_307 {offsets = [12], sizes = [1], strides = [1]} : vector<16xi32> to vector<1xi32>
          %squeeze3A_1026 = vector.extract %slice3A_1025[0] : i32 from vector<1xi32>
          %add3A_1027 = arith.constant 12 : i32
          %add3A_1028 = arith.addi %multiple_of3A_303, %add3A_1027 : i32
          %add3A_1029 = arith.constant 0 : i32
          %add3A_1030 = arith.addi %squeeze3A_1026, %add3A_1029 : i32
          %get3A_1031 = arith.index_cast %add3A_1028 : i32 to index
          %get3A_1032 = arith.index_cast %add3A_1030 : i32 to index
          %get3A_1033 = tpu.vector_load %arg8[%get3A_1031, %get3A_1032] {strides = array<i32>} : memref<256x128xf32, #tpu.memory_space<vmem>>, vector<1x16xf32>,
          %get3A_1034 = vector.shape_cast %get3A_1033 : vector<1x16xf32> to vector<16xf32>
          %mul3A_1035 = arith.constant 8.000000e+00 : f32
          %mul3A_1036 = vector.broadcast %mul3A_1035 : f32 to vector<16xf32>
          %mul3A_1037 = arith.mulf %get3A_1034, %mul3A_1036 : vector<16xf32>
          %swap3A_1038 = arith.index_cast %add3A_1028 : i32 to index
          %swap3A_1039 = arith.constant 0 : index
          %swap3A_1040 = tpu.vector_load %arg9[%swap3A_1038, %swap3A_1039] {strides = array<i32>} : memref<256x64xf32, #tpu.memory_space<vmem>>, vector<1x16xf32>,
          %swap3A_1041 = vector.shape_cast %swap3A_1040 : vector<1x16xf32> to vector<16xf32>
          %swap3A_1042 = vector.shape_cast %mul3A_1037 : vector<16xf32> to vector<1x16xf32>
          tpu.vector_store %arg9[%swap3A_1038, %swap3A_1039], %swap3A_1042 {strides = array<i32>} : memref<256x64xf32, #tpu.memory_space<vmem>>, vector<1x16xf32>,
          %add3A_1043 = arith.constant 16 : i32
          %add3A_1044 = arith.addi %squeeze3A_1026, %add3A_1043 : i32
          %get3A_1045 = arith.index_cast %add3A_1028 : i32 to index
          %get3A_1046 = arith.index_cast %add3A_1044 : i32 to index
          %get3A_1047 = tpu.vector_load %arg8[%get3A_1045, %get3A_1046] {strides = array<i32>} : memref<256x128xf32, #tpu.memory_space<vmem>>, vector<1x16xf32>,
          %get3A_1048 = vector.shape_cast %get3A_1047 : vector<1x16xf32> to vector<16xf32>
          %mul3A_1049 = arith.constant 8.000000e+00 : f32
          %mul3A_1050 = vector.broadcast %mul3A_1049 : f32 to vector<16xf32>
          %mul3A_1051 = arith.mulf %get3A_1048, %mul3A_1050 : vector<16xf32>
          %swap3A_1052 = arith.index_cast %add3A_1028 : i32 to index
          %swap3A_1053 = arith.constant 16 : index
          %swap3A_1054 = tpu.vector_load %arg9[%swap3A_1052, %swap3A_1053] {strides = array<i32>} : memref<256x64xf32, #tpu.memory_space<vmem>>, vector<1x16xf32>,
          %swap3A_1055 = vector.shape_cast %swap3A_1054 : vector<1x16xf32> to vector<16xf32>
          %swap3A_1056 = vector.shape_cast %mul3A_1051 : vector<16xf32> to vector<1x16xf32>
          tpu.vector_store %arg9[%swap3A_1052, %swap3A_1053], %swap3A_1056 {strides = array<i32>} : memref<256x64xf32, #tpu.memory_space<vmem>>, vector<1x16xf32>,
          %add3A_1057 = arith.constant 32 : i32
          %add3A_1058 = arith.addi %squeeze3A_1026, %add3A_1057 : i32
          %get3A_1059 = arith.index_cast %add3A_1028 : i32 to index
          %get3A_1060 = arith.index_cast %add3A_1058 : i32 to index
          %get3A_1061 = tpu.vector_load %arg8[%get3A_1059, %get3A_1060] {strides = array<i32>} : memref<256x128xf32, #tpu.memory_space<vmem>>, vector<1x16xf32>,
          %get3A_1062 = vector.shape_cast %get3A_1061 : vector<1x16xf32> to vector<16xf32>
          %mul3A_1063 = arith.constant 8.000000e+00 : f32
          %mul3A_1064 = vector.broadcast %mul3A_1063 : f32 to vector<16xf32>
          %mul3A_1065 = arith.mulf %get3A_1062, %mul3A_1064 : vector<16xf32>
          %swap3A_1066 = arith.index_cast %add3A_1028 : i32 to index
          %swap3A_1067 = arith.constant 32 : index
          %swap3A_1068 = tpu.vector_load %arg9[%swap3A_1066, %swap3A_1067] {strides = array<i32>} : memref<256x64xf32, #tpu.memory_space<vmem>>, vector<1x16xf32>,
          %swap3A_1069 = vector.shape_cast %swap3A_1068 : vector<1x16xf32> to vector<16xf32>
          %swap3A_1070 = vector.shape_cast %mul3A_1065 : vector<16xf32> to vector<1x16xf32>
          tpu.vector_store %arg9[%swap3A_1066, %swap3A_1067], %swap3A_1070 {strides = array<i32>} : memref<256x64xf32, #tpu.memory_space<vmem>>, vector<1x16xf32>,
          %add3A_1071 = arith.constant 48 : i32
          %add3A_1072 = arith.addi %squeeze3A_1026, %add3A_1071 : i32
          %get3A_1073 = arith.index_cast %add3A_1028 : i32 to index
          %get3A_1074 = arith.index_cast %add3A_1072 : i32 to index
          %get3A_1075 = tpu.vector_load %arg8[%get3A_1073, %get3A_1074] {strides = array<i32>} : memref<256x128xf32, #tpu.memory_space<vmem>>, vector<1x16xf32>,
          %get3A_1076 = vector.shape_cast %get3A_1075 : vector<1x16xf32> to vector<16xf32>
          %mul3A_1077 = arith.constant 8.000000e+00 : f32
          %mul3A_1078 = vector.broadcast %mul3A_1077 : f32 to vector<16xf32>
          %mul3A_1079 = arith.mulf %get3A_1076, %mul3A_1078 : vector<16xf32>
          %swap3A_1080 = arith.index_cast %add3A_1028 : i32 to index
          %swap3A_1081 = arith.constant 48 : index
          %swap3A_1082 = tpu.vector_load %arg9[%swap3A_1080, %swap3A_1081] {strides = array<i32>} : memref<256x64xf32, #tpu.memory_space<vmem>>, vector<1x16xf32>,
          %swap3A_1083 = vector.shape_cast %swap3A_1082 : vector<1x16xf32> to vector<16xf32>
          %swap3A_1084 = vector.shape_cast %mul3A_1079 : vector<16xf32> to vector<1x16xf32>
          tpu.vector_store %arg9[%swap3A_1080, %swap3A_1081], %swap3A_1084 {strides = array<i32>} : memref<256x64xf32, #tpu.memory_space<vmem>>, vector<1x16xf32>,
          %slice3A_1085 = vector.extract_strided_slice %get3A_307 {offsets = [13], sizes = [1], strides = [1]} : vector<16xi32> to vector<1xi32>
          %squeeze3A_1086 = vector.extract %slice3A_1085[0] : i32 from vector<1xi32>
          %add3A_1087 = arith.constant 13 : i32
          %add3A_1088 = arith.addi %multiple_of3A_303, %add3A_1087 : i32
          %add3A_1089 = arith.constant 0 : i32
          %add3A_1090 = arith.addi %squeeze3A_1086, %add3A_1089 : i32
          %get3A_1091 = arith.index_cast %add3A_1088 : i32 to index
          %get3A_1092 = arith.index_cast %add3A_1090 : i32 to index
          %get3A_1093 = tpu.vector_load %arg8[%get3A_1091, %get3A_1092] {strides = array<i32>} : memref<256x128xf32, #tpu.memory_space<vmem>>, vector<1x16xf32>,
          %get3A_1094 = vector.shape_cast %get3A_1093 : vector<1x16xf32> to vector<16xf32>
          %mul3A_1095 = arith.constant 8.000000e+00 : f32
          %mul3A_1096 = vector.broadcast %mul3A_1095 : f32 to vector<16xf32>
          %mul3A_1097 = arith.mulf %get3A_1094, %mul3A_1096 : vector<16xf32>
          %swap3A_1098 = arith.index_cast %add3A_1088 : i32 to index
          %swap3A_1099 = arith.constant 0 : index
          %swap3A_1100 = tpu.vector_load %arg9[%swap3A_1098, %swap3A_1099] {strides = array<i32>} : memref<256x64xf32, #tpu.memory_space<vmem>>, vector<1x16xf32>,
          %swap3A_1101 = vector.shape_cast %swap3A_1100 : vector<1x16xf32> to vector<16xf32>
          %swap3A_1102 = vector.shape_cast %mul3A_1097 : vector<16xf32> to vector<1x16xf32>
          tpu.vector_store %arg9[%swap3A_1098, %swap3A_1099], %swap3A_1102 {strides = array<i32>} : memref<256x64xf32, #tpu.memory_space<vmem>>, vector<1x16xf32>,
          %add3A_1103 = arith.constant 16 : i32
          %add3A_1104 = arith.addi %squeeze3A_1086, %add3A_1103 : i32
          %get3A_1105 = arith.index_cast %add3A_1088 : i32 to index
          %get3A_1106 = arith.index_cast %add3A_1104 : i32 to index
          %get3A_1107 = tpu.vector_load %arg8[%get3A_1105, %get3A_1106] {strides = array<i32>} : memref<256x128xf32, #tpu.memory_space<vmem>>, vector<1x16xf32>,
          %get3A_1108 = vector.shape_cast %get3A_1107 : vector<1x16xf32> to vector<16xf32>
          %mul3A_1109 = arith.constant 8.000000e+00 : f32
          %mul3A_1110 = vector.broadcast %mul3A_1109 : f32 to vector<16xf32>
          %mul3A_1111 = arith.mulf %get3A_1108, %mul3A_1110 : vector<16xf32>
          %swap3A_1112 = arith.index_cast %add3A_1088 : i32 to index
          %swap3A_1113 = arith.constant 16 : index
          %swap3A_1114 = tpu.vector_load %arg9[%swap3A_1112, %swap3A_1113] {strides = array<i32>} : memref<256x64xf32, #tpu.memory_space<vmem>>, vector<1x16xf32>,
          %swap3A_1115 = vector.shape_cast %swap3A_1114 : vector<1x16xf32> to vector<16xf32>
          %swap3A_1116 = vector.shape_cast %mul3A_1111 : vector<16xf32> to vector<1x16xf32>
          tpu.vector_store %arg9[%swap3A_1112, %swap3A_1113], %swap3A_1116 {strides = array<i32>} : memref<256x64xf32, #tpu.memory_space<vmem>>, vector<1x16xf32>,
          %add3A_1117 = arith.constant 32 : i32
          %add3A_1118 = arith.addi %squeeze3A_1086, %add3A_1117 : i32
          %get3A_1119 = arith.index_cast %add3A_1088 : i32 to index
          %get3A_1120 = arith.index_cast %add3A_1118 : i32 to index
          %get3A_1121 = tpu.vector_load %arg8[%get3A_1119, %get3A_1120] {strides = array<i32>} : memref<256x128xf32, #tpu.memory_space<vmem>>, vector<1x16xf32>,
          %get3A_1122 = vector.shape_cast %get3A_1121 : vector<1x16xf32> to vector<16xf32>
          %mul3A_1123 = arith.constant 8.000000e+00 : f32
          %mul3A_1124 = vector.broadcast %mul3A_1123 : f32 to vector<16xf32>
          %mul3A_1125 = arith.mulf %get3A_1122, %mul3A_1124 : vector<16xf32>
          %swap3A_1126 = arith.index_cast %add3A_1088 : i32 to index
          %swap3A_1127 = arith.constant 32 : index
          %swap3A_1128 = tpu.vector_load %arg9[%swap3A_1126, %swap3A_1127] {strides = array<i32>} : memref<256x64xf32, #tpu.memory_space<vmem>>, vector<1x16xf32>,
          %swap3A_1129 = vector.shape_cast %swap3A_1128 : vector<1x16xf32> to vector<16xf32>
          %swap3A_1130 = vector.shape_cast %mul3A_1125 : vector<16xf32> to vector<1x16xf32>
          tpu.vector_store %arg9[%swap3A_1126, %swap3A_1127], %swap3A_1130 {strides = array<i32>} : memref<256x64xf32, #tpu.memory_space<vmem>>, vector<1x16xf32>,
          %add3A_1131 = arith.constant 48 : i32
          %add3A_1132 = arith.addi %squeeze3A_1086, %add3A_1131 : i32
          %get3A_1133 = arith.index_cast %add3A_1088 : i32 to index
          %get3A_1134 = arith.index_cast %add3A_1132 : i32 to index
          %get3A_1135 = tpu.vector_load %arg8[%get3A_1133, %get3A_1134] {strides = array<i32>} : memref<256x128xf32, #tpu.memory_space<vmem>>, vector<1x16xf32>,
          %get3A_1136 = vector.shape_cast %get3A_1135 : vector<1x16xf32> to vector<16xf32>
          %mul3A_1137 = arith.constant 8.000000e+00 : f32
          %mul3A_1138 = vector.broadcast %mul3A_1137 : f32 to vector<16xf32>
          %mul3A_1139 = arith.mulf %get3A_1136, %mul3A_1138 : vector<16xf32>
          %swap3A_1140 = arith.index_cast %add3A_1088 : i32 to index
          %swap3A_1141 = arith.constant 48 : index
          %swap3A_1142 = tpu.vector_load %arg9[%swap3A_1140, %swap3A_1141] {strides = array<i32>} : memref<256x64xf32, #tpu.memory_space<vmem>>, vector<1x16xf32>,
          %swap3A_1143 = vector.shape_cast %swap3A_1142 : vector<1x16xf32> to vector<16xf32>
          %swap3A_1144 = vector.shape_cast %mul3A_1139 : vector<16xf32> to vector<1x16xf32>
          tpu.vector_store %arg9[%swap3A_1140, %swap3A_1141], %swap3A_1144 {strides = array<i32>} : memref<256x64xf32, #tpu.memory_space<vmem>>, vector<1x16xf32>,
          %slice3A_1145 = vector.extract_strided_slice %get3A_307 {offsets = [14], sizes = [1], strides = [1]} : vector<16xi32> to vector<1xi32>
          %squeeze3A_1146 = vector.extract %slice3A_1145[0] : i32 from vector<1xi32>
          %add3A_1147 = arith.constant 14 : i32
          %add3A_1148 = arith.addi %multiple_of3A_303, %add3A_1147 : i32
          %add3A_1149 = arith.constant 0 : i32
          %add3A_1150 = arith.addi %squeeze3A_1146, %add3A_1149 : i32
          %get3A_1151 = arith.index_cast %add3A_1148 : i32 to index
          %get3A_1152 = arith.index_cast %add3A_1150 : i32 to index
          %get3A_1153 = tpu.vector_load %arg8[%get3A_1151, %get3A_1152] {strides = array<i32>} : memref<256x128xf32, #tpu.memory_space<vmem>>, vector<1x16xf32>,
          %get3A_1154 = vector.shape_cast %get3A_1153 : vector<1x16xf32> to vector<16xf32>
          %mul3A_1155 = arith.constant 8.000000e+00 : f32
          %mul3A_1156 = vector.broadcast %mul3A_1155 : f32 to vector<16xf32>
          %mul3A_1157 = arith.mulf %get3A_1154, %mul3A_1156 : vector<16xf32>
          %swap3A_1158 = arith.index_cast %add3A_1148 : i32 to index
          %swap3A_1159 = arith.constant 0 : index
          %swap3A_1160 = tpu.vector_load %arg9[%swap3A_1158, %swap3A_1159] {strides = array<i32>} : memref<256x64xf32, #tpu.memory_space<vmem>>, vector<1x16xf32>,
          %swap3A_1161 = vector.shape_cast %swap3A_1160 : vector<1x16xf32> to vector<16xf32>
          %swap3A_1162 = vector.shape_cast %mul3A_1157 : vector<16xf32> to vector<1x16xf32>
          tpu.vector_store %arg9[%swap3A_1158, %swap3A_1159], %swap3A_1162 {strides = array<i32>} : memref<256x64xf32, #tpu.memory_space<vmem>>, vector<1x16xf32>,
          %add3A_1163 = arith.constant 16 : i32
          %add3A_1164 = arith.addi %squeeze3A_1146, %add3A_1163 : i32
          %get3A_1165 = arith.index_cast %add3A_1148 : i32 to index
          %get3A_1166 = arith.index_cast %add3A_1164 : i32 to index
          %get3A_1167 = tpu.vector_load %arg8[%get3A_1165, %get3A_1166] {strides = array<i32>} : memref<256x128xf32, #tpu.memory_space<vmem>>, vector<1x16xf32>,
          %get3A_1168 = vector.shape_cast %get3A_1167 : vector<1x16xf32> to vector<16xf32>
          %mul3A_1169 = arith.constant 8.000000e+00 : f32
          %mul3A_1170 = vector.broadcast %mul3A_1169 : f32 to vector<16xf32>
          %mul3A_1171 = arith.mulf %get3A_1168, %mul3A_1170 : vector<16xf32>
          %swap3A_1172 = arith.index_cast %add3A_1148 : i32 to index
          %swap3A_1173 = arith.constant 16 : index
          %swap3A_1174 = tpu.vector_load %arg9[%swap3A_1172, %swap3A_1173] {strides = array<i32>} : memref<256x64xf32, #tpu.memory_space<vmem>>, vector<1x16xf32>,
          %swap3A_1175 = vector.shape_cast %swap3A_1174 : vector<1x16xf32> to vector<16xf32>
          %swap3A_1176 = vector.shape_cast %mul3A_1171 : vector<16xf32> to vector<1x16xf32>
          tpu.vector_store %arg9[%swap3A_1172, %swap3A_1173], %swap3A_1176 {strides = array<i32>} : memref<256x64xf32, #tpu.memory_space<vmem>>, vector<1x16xf32>,
          %add3A_1177 = arith.constant 32 : i32
          %add3A_1178 = arith.addi %squeeze3A_1146, %add3A_1177 : i32
          %get3A_1179 = arith.index_cast %add3A_1148 : i32 to index
          %get3A_1180 = arith.index_cast %add3A_1178 : i32 to index
          %get3A_1181 = tpu.vector_load %arg8[%get3A_1179, %get3A_1180] {strides = array<i32>} : memref<256x128xf32, #tpu.memory_space<vmem>>, vector<1x16xf32>,
          %get3A_1182 = vector.shape_cast %get3A_1181 : vector<1x16xf32> to vector<16xf32>
          %mul3A_1183 = arith.constant 8.000000e+00 : f32
          %mul3A_1184 = vector.broadcast %mul3A_1183 : f32 to vector<16xf32>
          %mul3A_1185 = arith.mulf %get3A_1182, %mul3A_1184 : vector<16xf32>
          %swap3A_1186 = arith.index_cast %add3A_1148 : i32 to index
          %swap3A_1187 = arith.constant 32 : index
          %swap3A_1188 = tpu.vector_load %arg9[%swap3A_1186, %swap3A_1187] {strides = array<i32>} : memref<256x64xf32, #tpu.memory_space<vmem>>, vector<1x16xf32>,
          %swap3A_1189 = vector.shape_cast %swap3A_1188 : vector<1x16xf32> to vector<16xf32>
          %swap3A_1190 = vector.shape_cast %mul3A_1185 : vector<16xf32> to vector<1x16xf32>
          tpu.vector_store %arg9[%swap3A_1186, %swap3A_1187], %swap3A_1190 {strides = array<i32>} : memref<256x64xf32, #tpu.memory_space<vmem>>, vector<1x16xf32>,
          %add3A_1191 = arith.constant 48 : i32
          %add3A_1192 = arith.addi %squeeze3A_1146, %add3A_1191 : i32
          %get3A_1193 = arith.index_cast %add3A_1148 : i32 to index
          %get3A_1194 = arith.index_cast %add3A_1192 : i32 to index
          %get3A_1195 = tpu.vector_load %arg8[%get3A_1193, %get3A_1194] {strides = array<i32>} : memref<256x128xf32, #tpu.memory_space<vmem>>, vector<1x16xf32>,
          %get3A_1196 = vector.shape_cast %get3A_1195 : vector<1x16xf32> to vector<16xf32>
          %mul3A_1197 = arith.constant 8.000000e+00 : f32
          %mul3A_1198 = vector.broadcast %mul3A_1197 : f32 to vector<16xf32>
          %mul3A_1199 = arith.mulf %get3A_1196, %mul3A_1198 : vector<16xf32>
          %swap3A_1200 = arith.index_cast %add3A_1148 : i32 to index
          %swap3A_1201 = arith.constant 48 : index
          %swap3A_1202 = tpu.vector_load %arg9[%swap3A_1200, %swap3A_1201] {strides = array<i32>} : memref<256x64xf32, #tpu.memory_space<vmem>>, vector<1x16xf32>,
          %swap3A_1203 = vector.shape_cast %swap3A_1202 : vector<1x16xf32> to vector<16xf32>
          %swap3A_1204 = vector.shape_cast %mul3A_1199 : vector<16xf32> to vector<1x16xf32>
          tpu.vector_store %arg9[%swap3A_1200, %swap3A_1201], %swap3A_1204 {strides = array<i32>} : memref<256x64xf32, #tpu.memory_space<vmem>>, vector<1x16xf32>,
          %slice3A_1205 = vector.extract_strided_slice %get3A_307 {offsets = [15], sizes = [1], strides = [1]} : vector<16xi32> to vector<1xi32>
          %squeeze3A_1206 = vector.extract %slice3A_1205[0] : i32 from vector<1xi32>
          %add3A_1207 = arith.constant 15 : i32
          %add3A_1208 = arith.addi %multiple_of3A_303, %add3A_1207 : i32
          %add3A_1209 = arith.constant 0 : i32
          %add3A_1210 = arith.addi %squeeze3A_1206, %add3A_1209 : i32
          %get3A_1211 = arith.index_cast %add3A_1208 : i32 to index
          %get3A_1212 = arith.index_cast %add3A_1210 : i32 to index
          %get3A_1213 = tpu.vector_load %arg8[%get3A_1211, %get3A_1212] {strides = array<i32>} : memref<256x128xf32, #tpu.memory_space<vmem>>, vector<1x16xf32>,
          %get3A_1214 = vector.shape_cast %get3A_1213 : vector<1x16xf32> to vector<16xf32>
          %mul3A_1215 = arith.constant 8.000000e+00 : f32
          %mul3A_1216 = vector.broadcast %mul3A_1215 : f32 to vector<16xf32>
          %mul3A_1217 = arith.mulf %get3A_1214, %mul3A_1216 : vector<16xf32>
          %swap3A_1218 = arith.index_cast %add3A_1208 : i32 to index
          %swap3A_1219 = arith.constant 0 : index
          %swap3A_1220 = tpu.vector_load %arg9[%swap3A_1218, %swap3A_1219] {strides = array<i32>} : memref<256x64xf32, #tpu.memory_space<vmem>>, vector<1x16xf32>,
          %swap3A_1221 = vector.shape_cast %swap3A_1220 : vector<1x16xf32> to vector<16xf32>
          %swap3A_1222 = vector.shape_cast %mul3A_1217 : vector<16xf32> to vector<1x16xf32>
          tpu.vector_store %arg9[%swap3A_1218, %swap3A_1219], %swap3A_1222 {strides = array<i32>} : memref<256x64xf32, #tpu.memory_space<vmem>>, vector<1x16xf32>,
          %add3A_1223 = arith.constant 16 : i32
          %add3A_1224 = arith.addi %squeeze3A_1206, %add3A_1223 : i32
          %get3A_1225 = arith.index_cast %add3A_1208 : i32 to index
          %get3A_1226 = arith.index_cast %add3A_1224 : i32 to index
          %get3A_1227 = tpu.vector_load %arg8[%get3A_1225, %get3A_1226] {strides = array<i32>} : memref<256x128xf32, #tpu.memory_space<vmem>>, vector<1x16xf32>,
          %get3A_1228 = vector.shape_cast %get3A_1227 : vector<1x16xf32> to vector<16xf32>
          %mul3A_1229 = arith.constant 8.000000e+00 : f32
          %mul3A_1230 = vector.broadcast %mul3A_1229 : f32 to vector<16xf32>
          %mul3A_1231 = arith.mulf %get3A_1228, %mul3A_1230 : vector<16xf32>
          %swap3A_1232 = arith.index_cast %add3A_1208 : i32 to index
          %swap3A_1233 = arith.constant 16 : index
          %swap3A_1234 = tpu.vector_load %arg9[%swap3A_1232, %swap3A_1233] {strides = array<i32>} : memref<256x64xf32, #tpu.memory_space<vmem>>, vector<1x16xf32>,
          %swap3A_1235 = vector.shape_cast %swap3A_1234 : vector<1x16xf32> to vector<16xf32>
          %swap3A_1236 = vector.shape_cast %mul3A_1231 : vector<16xf32> to vector<1x16xf32>
          tpu.vector_store %arg9[%swap3A_1232, %swap3A_1233], %swap3A_1236 {strides = array<i32>} : memref<256x64xf32, #tpu.memory_space<vmem>>, vector<1x16xf32>,
          %add3A_1237 = arith.constant 32 : i32
          %add3A_1238 = arith.addi %squeeze3A_1206, %add3A_1237 : i32
          %get3A_1239 = arith.index_cast %add3A_1208 : i32 to index
          %get3A_1240 = arith.index_cast %add3A_1238 : i32 to index
          %get3A_1241 = tpu.vector_load %arg8[%get3A_1239, %get3A_1240] {strides = array<i32>} : memref<256x128xf32, #tpu.memory_space<vmem>>, vector<1x16xf32>,
          %get3A_1242 = vector.shape_cast %get3A_1241 : vector<1x16xf32> to vector<16xf32>
          %mul3A_1243 = arith.constant 8.000000e+00 : f32
          %mul3A_1244 = vector.broadcast %mul3A_1243 : f32 to vector<16xf32>
          %mul3A_1245 = arith.mulf %get3A_1242, %mul3A_1244 : vector<16xf32>
          %swap3A_1246 = arith.index_cast %add3A_1208 : i32 to index
          %swap3A_1247 = arith.constant 32 : index
          %swap3A_1248 = tpu.vector_load %arg9[%swap3A_1246, %swap3A_1247] {strides = array<i32>} : memref<256x64xf32, #tpu.memory_space<vmem>>, vector<1x16xf32>,
          %swap3A_1249 = vector.shape_cast %swap3A_1248 : vector<1x16xf32> to vector<16xf32>
          %swap3A_1250 = vector.shape_cast %mul3A_1245 : vector<16xf32> to vector<1x16xf32>
          tpu.vector_store %arg9[%swap3A_1246, %swap3A_1247], %swap3A_1250 {strides = array<i32>} : memref<256x64xf32, #tpu.memory_space<vmem>>, vector<1x16xf32>,
          %add3A_1251 = arith.constant 48 : i32
          %add3A_1252 = arith.addi %squeeze3A_1206, %add3A_1251 : i32
          %get3A_1253 = arith.index_cast %add3A_1208 : i32 to index
          %get3A_1254 = arith.index_cast %add3A_1252 : i32 to index
          %get3A_1255 = tpu.vector_load %arg8[%get3A_1253, %get3A_1254] {strides = array<i32>} : memref<256x128xf32, #tpu.memory_space<vmem>>, vector<1x16xf32>,
          %get3A_1256 = vector.shape_cast %get3A_1255 : vector<1x16xf32> to vector<16xf32>
          %mul3A_1257 = arith.constant 8.000000e+00 : f32
          %mul3A_1258 = vector.broadcast %mul3A_1257 : f32 to vector<16xf32>
          %mul3A_1259 = arith.mulf %get3A_1256, %mul3A_1258 : vector<16xf32>
          %swap3A_1260 = arith.index_cast %add3A_1208 : i32 to index
          %swap3A_1261 = arith.constant 48 : index
          %swap3A_1262 = tpu.vector_load %arg9[%swap3A_1260, %swap3A_1261] {strides = array<i32>} : memref<256x64xf32, #tpu.memory_space<vmem>>, vector<1x16xf32>,
          %swap3A_1263 = vector.shape_cast %swap3A_1262 : vector<1x16xf32> to vector<16xf32>
          %swap3A_1264 = vector.shape_cast %mul3A_1259 : vector<16xf32> to vector<1x16xf32>
          tpu.vector_store %arg9[%swap3A_1260, %swap3A_1261], %swap3A_1264 {strides = array<i32>} : memref<256x64xf32, #tpu.memory_space<vmem>>, vector<1x16xf32>,
        }
        %scan3A_296 = arith.constant 16 : i32
        %mul3A_297 = arith.constant 256 : i32
        %mul3A_298 = arith.muli %scan3A_18, %mul3A_297 : i32
        %add3A_299 = arith.addi %multiple_of3A_12, %mul3A_298 : i32
        "tpu.region"() ({
          %run_scoped3A = tpu.sem_alloc : memref<!tpu.dma_semaphore, #tpu.memory_space<semaphore_mem>>
          %dma_start3A_300 = arith.constant 0 : i32
          %dma_start3A_301 = tpu.memref_slice %arg5[%add3A_299, %dma_start3A_300] : memref<819200x64xf32, #tpu.memory_space<hbm>> -> memref<256x64xf32, #tpu.memory_space<hbm>>
          %dma_start3A_302 = arith.constant 0 : i32
          %dma_start3A_303 = tpu.memref_slice %arg5[%add3A_299, %dma_start3A_302] : memref<819200x64xf32, #tpu.memory_space<hbm>> -> memref<256x64xf32, #tpu.memory_space<hbm>>
          tpu.enqueue_dma source(%arg9 : memref<256x64xf32, #tpu.memory_space<vmem>>) target(%dma_start3A_303 : memref<256x64xf32, #tpu.memory_space<hbm>>) target_semaphore(%run_scoped3A : memref<!tpu.dma_semaphore, #tpu.memory_space<semaphore_mem>>)
          %dma_wait3A_304 = arith.constant 0 : i32
          %dma_wait3A_305 = tpu.memref_slice %arg5[%add3A_299, %dma_wait3A_304] : memref<819200x64xf32, #tpu.memory_space<hbm>> -> memref<256x64xf32, #tpu.memory_space<hbm>>
          %dma_wait3A_306 = arith.constant 0 : i32
          %dma_wait3A_307 = tpu.memref_slice %arg5[%add3A_299, %dma_wait3A_306] : memref<819200x64xf32, #tpu.memory_space<hbm>> -> memref<256x64xf32, #tpu.memory_space<hbm>>
          tpu.wait_dma2 semaphore(%run_scoped3A : memref<!tpu.dma_semaphore, #tpu.memory_space<semaphore_mem>>) src(%arg9 : memref<256x64xf32, #tpu.memory_space<vmem>>) dst(%dma_wait3A_307 : memref<256x64xf32, #tpu.memory_space<hbm>>)
          tpu.yield
        }) : () -> ()
      }
      %scan3A_17 = arith.constant 4 : i32
    }
    %scan3A_7 = arith.constant 25 : i32
    return
  }
}

</mosaic_0001>

<sc_bundles>
// kernel: kernel.3.cloned.1.call-start
scs
__scs_entry_jumppad:
0x0: {  	(pc) =	sbr.rel $0x88, $3  }
0x1: {  	(tag) =	ssettag $0x0;
	lr =	simm.s32 $0x1  }
0x2: {  	[smem:$0x3F9F] =	sst lr;
	_ =	strace $0xD0000000  }
0x3: {  	_ = 	snop  }
0x4: {  	_ = 	snop  }
0x5: {  	_ = 	snop  }
0x6: {  	_ = 	snop  }
0x7: {  	_ = 	snop  }
__scs_overlays_trampoline_lowered:
0x8: {  	[smem:$0x3FAE] =	sst s0  }
0x9: {  	[smem:$0x3FAF] =	sst s1  }
0xa: {  	[smem:$0x3FB0] =	sst s2  }
0xb: {  	[smem:$0x3FB1] =	sst s3  }
0xc: {  	[smem:$0x3FB2] =	sst s4  }
0xd: {  	[smem:$0x3FB3] =	sst s5  }
0xe: {  	[smem:$0x3FB4] =	sst s6  }
0xf: {  	[smem:$0x3FB5] =	sst s7  }
0x10: {  	[smem:$0x3FB6] =	sst s8  }
0x11: {  	[smem:$0x3FB7] =	sst s9;
	s0 =	simm.s32 @!p0 $0x0  }
0x12: {  	s1 =	sld [smem:$0x3F9D];
	s0 =	simm.s32 @p0 $0x1  }
0x13: {  	[smem:$0x3FB8] =	sst s0;
	s0 =	simm.s32 @!p1 $0x0  }
0x14: {  	s2 =	sld [smem:$0x3F9C];
	s0 =	simm.s32 @p1 $0x1  }
0x15: {  	[smem:$0x3FB9] =	sst s0;
	s0 =	simm.s32 @!p2 $0x0  }
0x16: {  	s3 =	sld [smem:$0x3FDB];
	s0 =	simm.s32 @p2 $0x1  }
0x17: {  	s4 =	simm.s32 $0x1BF5;
	[smem:$0x3FBB] =	sst s0  }
0x18: {  	s0 =	sld [smem:$0x3F9E];
	_ =	swait.ge [sflag:s4], $0x0  }
0x19: {  	s7 =	sld [smem:$0x3F9F]  }
0x1a: {  	s8 =	sadd.s32 $0xFFFFE003, lr  }
0x1b: {  	s9 =	sadd.s32 $0xFFFFFEF7, lr;
	s5 =	simm.s32 $0xFFFFFFFF;
	p2 =	slt.u32 s8, $0xFFFFF086  }
0x1c: {  	p1 =	slt.u32 s9, $0xF7A;
	s5 =	simm.s32 @!p2 $0x0  }
0x1d: {  	s5 =	simm.s32 @p1 $0x1;
	p0 =	seq.s32 s7, s2  }
0x1e: {  	s7 =	smul.u32 @!p0 $0xF7A, s2;
	p2 =	seq.s32 @!p0 s5, $0x0  }
0x1f: {  	s9 =	smul.u32 $0xF7A, s1;
	s8 =	simm.s32 @!p0 $0x1BF5;
	p2 =	por !p2, p0  }
0x20: {  	[sflag:s8] =	ssyncset.s32 @!p0 $0xFFFFF086;
	s6 =	sadd.s32 @!p0 s3, s7;
	s7 =	simm.s32 @!p0 $0x108  }
0x21: {  	s3 =	sadd.s32 s3, s9;
	s6 =	sadd.s32 @!p0 $0x88, s6;
	s7 =	simm.s32 @p2 $0x1082  }
0x22: {  	[simem:s7], [sflag:s8] =	dma.local @!p0 [hbm:s6], $0xF7A  }
0x23: {  	s9 =	sor.u32 $0xD0000000, s2;
	s6 =	simm.s32 $0x108;
	_ =	swait.ge @!p0 [sflag:s8], $0x0  }
0x24: {  	s3 =	sadd.s32 $0x88, s3;
	s6 =	simm.s32 @!p1 $0x1082;
	[sflag:s4] =	ssyncset.s32 $0xFFFFF086  }
0x25: {  	[simem:s6], [sflag:s4] =	dma.local [hbm:s3], $0xF7A  }
0x26: {  	[smem:$0x3F9F] =	sst s1;
	(tag) =	ssettag s2;
	_ =	strace s9  }
0x27: {  	s1 =	sld [smem:$0x3FAF]  }
0x28: {  	s2 =	sld [smem:$0x3FB0]  }
0x29: {  	s4 =	sld [smem:$0x3FB2]  }
0x2a: {  	p0 =	seq.s32 s5, $0x0;
	s5 =	sld [smem:$0x3FB3]  }
0x2b: {  	s6 =	sld [smem:$0x3FB4]  }
0x2c: {  	s7 =	sld [smem:$0x3FB5]  }
0x2d: {  	s3 =	simm.s32 $0x108;
	s8 =	sld [smem:$0x3FB6]  }
0x2e: {  	s3 =	simm.s32 @!p0 $0x1082;
	s9 =	sld [smem:$0x3FB7]  }
0x2f: {  	lr =	sadd.s32 s0, s3;
	s0 =	sld [smem:$0x3FAE]  }
0x30: {  	s3 =	sld [smem:$0x3FB1]  }
0x31: {  	[smem:$0x3FBA] =	sst s10  }
0x32: {  	s10 =	sld [smem:$0x3FB8];
	_ =	sdelay $0x3  }
0x33: {  	p0 =	seq.s32 s10, $0x1;
	s10 =	sld [smem:$0x3FBA];
	_ =	sdelay $0x3  }
0x34: {  	[smem:$0x3FBA] =	sst s10  }
0x35: {  	s10 =	sld [smem:$0x3FB9];
	_ =	sdelay $0x3  }
0x36: {  	p1 =	seq.s32 s10, $0x1;
	s10 =	sld [smem:$0x3FBA];
	_ =	sdelay $0x3  }
0x37: {  	[smem:$0x3FBA] =	sst s10  }
0x38: {  	s10 =	sld [smem:$0x3FBB]  }
0x39: {  	_ = 	snop;
	(pc) =	sbr.ind lr, $3  }
0x3a: {  	_ = 	snop  }
0x3b: {  	_ = 	snop  }
0x3c: {  	p2 =	seq.s32 s10, $0x1;
	s10 =	sld [smem:$0x3FBA]  }
0x3d: {  	_ =	shalt  }
0x3e: {  	_ =	shalt  }
0x3f: {  	_ =	shalt  }
0x40: {  	_ =	shalt  }
0x41: {  	_ =	shalt  }
0x42: {  	_ =	shalt  }
0x43: {  	_ =	shalt  }
0x44: {  	_ =	shalt  }
0x45: {  	_ =	shalt  }
0x46: {  	_ =	shalt  }
0x47: {  	_ =	shalt  }
0x48: {  	_ =	shalt  }
0x49: {  	_ =	shalt  }
0x4a: {  	_ =	shalt  }
0x4b: {  	_ =	shalt  }
0x4c: {  	_ =	shalt  }
0x4d: {  	_ =	shalt  }
0x4e: {  	_ =	shalt  }
0x4f: {  	_ =	shalt  }
0x50: {  	_ =	shalt  }
0x51: {  	_ =	shalt  }
0x52: {  	_ =	shalt  }
0x53: {  	_ =	shalt  }
0x54: {  	_ =	shalt  }
0x55: {  	_ =	shalt  }
0x56: {  	_ =	shalt  }
0x57: {  	_ =	shalt  }
0x58: {  	_ =	shalt  }
0x59: {  	_ =	shalt  }
0x5a: {  	_ =	shalt  }
0x5b: {  	_ =	shalt  }
0x5c: {  	_ =	shalt  }
0x5d: {  	_ =	shalt  }
0x5e: {  	_ =	shalt  }
0x5f: {  	_ =	shalt  }
0x60: {  	_ =	shalt  }
0x61: {  	_ =	shalt  }
0x62: {  	_ =	shalt  }
0x63: {  	_ =	shalt  }
0x64: {  	_ =	shalt  }
0x65: {  	_ =	shalt  }
0x66: {  	_ =	shalt  }
0x67: {  	_ =	shalt  }
0x68: {  	_ =	shalt  }
0x69: {  	_ =	shalt  }
0x6a: {  	_ =	shalt  }
0x6b: {  	_ =	shalt  }
0x6c: {  	_ =	shalt  }
0x6d: {  	_ =	shalt  }
0x6e: {  	_ =	shalt  }
0x6f: {  	_ =	shalt  }
0x70: {  	_ =	shalt  }
0x71: {  	_ =	shalt  }
0x72: {  	_ =	shalt  }
0x73: {  	_ =	shalt  }
0x74: {  	_ =	shalt  }
0x75: {  	_ =	shalt  }
0x76: {  	_ =	shalt  }
0x77: {  	_ =	shalt  }
0x78: {  	_ =	shalt  }
0x79: {  	_ =	shalt  }
0x7a: {  	_ =	shalt  }
0x7b: {  	_ =	shalt  }
0x7c: {  	_ =	shalt  }
0x7d: {  	_ =	shalt  }
0x7e: {  	_ =	shalt  }
0x7f: {  	_ =	shalt  }
0x80: {  	_ =	shalt  }
0x81: {  	_ =	shalt  }
0x82: {  	_ =	shalt  }
0x83: {  	_ =	shalt  }
0x84: {  	_ =	shalt  }
0x85: {  	_ =	shalt  }
0x86: {  	_ =	shalt  }
0x87: {  	_ =	shalt  }
.Lfunc_end0:
.L_simem_size_0:
called_computation.1_lowered:
.L_overlay_start_0:
0x88: {  	s2 =	sld [smem:$0x3FD9]  }
0x89: {  	s3 =	sld [smem:$0x3FFE];
	_ =	sdelay $0x1  }
0x8a: {  	s1 =	srdreg.scid  }
0x8b: {  	s0 =	sand.u32 $0x1, s1  }
0x8c: {  	s17 =	sshll.u32 s0, $0xA;
	s2 =	sadd.s32 s3, s2  }
0x8d: {  	s2 =	sadd.s32 s2, s17  }
0x8e: {  	[smem:$0x3FC6] =	sst s2  }
0x8f: {  	_ = 	snop  }
0x90: {  	s2 =	sld [smem:$0x3FD0];
	(tm) =	ssettm $0x1  }
0x91: {  	s18 =	sld [smem:$0x3FFB];
	_ =	sdelay $0x3  }
0x92: {  	_ =	strace s18  }
0x93: {  	s3 =	sld [smem:$0x3FFC];
	_ =	sdelay $0x3  }
0x94: {  	_ =	strace s3  }
0x95: {  	s3 =	sld [smem:$0x3FFD];
	_ =	sdelay $0x3  }
0x96: {  	_ =	strace s3  }
0x97: {  	_ =	strace $0x8FFFFFFF  }
0x98: {  	s19 =	sld [smem:$0x3FDB];
	_ =	sdelay $0x1  }
0x99: {  	s4 =	simm.s32 $_scs_section_size  }
0x9a: {  	s5 =	simm.s32 $_size__tile_overlayer_lowered;
	s6 =	simm.s32 $_tile_overlayer_lowered  }
0x9b: {  	s22 =	simm.s32 $0x1BFF;
	s21 =	sshll.u32 s6, $0x1;
	s3 =	sadd.s32 s4, s19  }
0x9c: {  	s7 =	simm.s32 $0x0;
	s20 =	sshll.u32 s5, $0x1;
	s5 =	sadd.s32 s21, s3  }
0x9d: {  	[timem:s7], [sflag:s22] =	dma.local [hbm:s5], s20  }
0x9e: {  	_ =	swait.ge [sflag:s22], s20  }
0x9f: {  	s4 =	ssub.s32 $0x0, s20;
	[sflag:s22] =	ssyncset.done $0x0  }
0xa0: {  	[sflag:s22] =	ssyncadd.s32 s4;
	_ =	sdelay $0x1  }
0xa1: {  	s23 =	simm.s32 $0x1B8B  }
0xa2: {  	_ =	swait.ge [sflag:s23], $0x1  }
0xa3: {  	[sflag:s23] =	ssyncset.done $0x0  }
0xa4: {  	s25 =	simm.s32 $0x1B8E;
	s24 =	sld [smem:$0x3FFE];
	[sflag:s23] =	ssyncadd.s32 $0xFFFFFFFF  }
0xa5: {  	s26 =	simm.s32 $execute0_lowered;
	[smem:$0x3FD2] =	sst s25  }
0xa6: {  	s5 =	sshll.u32 s26, $0x1;
	_ =	strace $0x80000046;
	[dreg:$0x1] =	wrdreg $0xFFFFFFFF  }
0xa7: {  	s28 =	simm.s32 $_size_execute0_lowered;
	s3 =	sadd.s32 s3, s5;
	[dreg:$0x0] =	wrdreg $0x0  }
0xa8: {  	s5 =	sshll.u32 s28, $0x1;
	[dreg:$0x2] =	wrdreg s3  }
0xa9: {  	[dreg:$0x3] =	wrdreg s5  }
0xaa: {  	[dreg:$0x4] =	wrdreg $0xC0  }
0xab: {  	_ =	task [dreg:s7], $0x5FFFF  }
0xac: {  	[dreg:$0x1] =	wrdreg $0xFFFFFFFF  }
0xad: {  	[dreg:$0x0] =	wrdreg $0x60  }
0xae: {  	[dreg:$0x2] =	wrdreg s24  }
0xaf: {  	[dreg:$0x3] =	wrdreg s2  }
0xb0: {  	[dreg:$0x4] =	wrdreg $0x9  }
0xb1: {  	_ =	task.clear_ibuf [dreg:s7], $0x5FFFF;
	_ =	strace $0x90000046  }
0xb2: {  	s29 =	simm.s32 $0x9;
	_ =	strace $0x80000048  }
0xb3: {  	_ =	swait.ge [sflag:s29], $0x1  }
0xb4: {  	[sflag:s29] =	ssyncadd.s32 $0xFFFFFFFF  }
0xb5: {  	_ =	strace $0x90000048  }
0xb6: {  	_ =	sfence  }
0xb7: {  	s30 =	sld [smem:$0x0];
	_ =	sdelay $0x2  }
0xb8: {  	s31 =	sshll.u32 s1, $0xD;
	s1 =	sshrl.u32 s1, $0x2  }
0xb9: {  	s3 =	sand.u32 $0x4000, s31;
	s1 =	sadd.s32 s1, s30  }
0xba: {  	s0 =	sor.u32 s3, s0;
	s1 =	sshll.u32 s1, $0x11  }
0xbb: {  	s0 =	sor.u32 s1, s0  }
0xbc: {  	s0 =	sadd.s32 $0x8F2B, s0  }
0xbd: {  	[sflag:s0] =	ssyncadd.remote.s32 $0x1  }
0xbe: {  	_ =	sfence.sel $0xFFFF  }
0xbf: {  	[dreg:$0x0] =	wrdreg $0xFFFFFFFF;
	(pc) =	sbr.abs _section_cstart, $3  }
0xc0: {  	[dreg:$0x1] =	wrdreg $0xFFFFFFFF  }
0xc1: {  	_ =	task.clear_ibuf [dreg:s7], $0x2FFFF;
	_ =	strace $0x9FFFFFFF  }
0xc2: {  	(tm) =	ssettm $0x7FFFFFFF  }
0xc3: {  	_ =	shalt  }
tec
execute0_lowered:
.L_overlay_start_1:
0x0: {  	(tag) =	ssettag $0x1  }
0x1: {  	s0 =	rddreg [dreg:$0x0];
	s2 =	simm.s32 $0x0  }
0x2: {  	s1 =	srdreg.scid;
	s25 =	stileid.u32;
	s9 =	simm.s32 $0x2  }
0x3: {  	s11 =	simm.s32 $0x800;
	s12 =	simm.s32 $0x1000;
	s13 =	simm.s32 $0x1800  }
0x4: {  	s14 =	simm.s32 $0x2000;
	s15 =	simm.s32 $0x2800;
	s16 =	simm.s32 $0x3000  }
0x5: {  	s17 =	simm.s32 $0x3800;
	s18 =	simm.s32 $0x4000;
	s19 =	simm.s32 $0x4800  }
0x6: {  	s20 =	simm.s32 $0x5000;
	s21 =	simm.s32 $0x5800;
	s22 =	simm.s32 $0x6000  }
0x7: {  	s23 =	simm.s32 $0x6800;
	s24 =	simm.s32 $0x7000;
	s28 =	simm.s32 $0x1  }
0x8: {  	s29 =	simm.s32 $0x8800;
	[smem:$0x7FF] =	sst s2;
	s1 =	sand.u32 $0x1, s1  }
0x9: {  	s4 =	sadd.s32 $0xF43000, s0;
	s6 =	sshll.u32 s25, $0x1;
	s26 =	sadd.s32 $0xC00, s0  }
0xa: {  	s25 =	simm.s32 $0x7800;
	s3 =	ssub.s32 $0x2, s1;
	s1 =	sor.u32 s1, s6  }
0xb: {  	_ =	strace $0x80000047;
	s5 =	sshrl.u32 s3, $0x1;
	s30 =	smul.u32 $0x6400, s1  }
0xc: {  	[dreg:$0x4] =	wrdreg s26;
	s6 =	sadd.s32 $0x19C00, s0;
	s3 =	ssub.s32 s3, s5  }
0xd: {  	s26 =	simm.s32 $0x8000;
	[dreg:$0x5] =	wrdreg s30;
	s31 =	smax.u32 s3, $0x1  }
0xe: {  	vm0 =	vmmov $0xffff;
	s1 =	simm.s32 $0x0;
	s3 =	simm.s32 $0x0;
	[dreg:$0x6] =	wrdreg s31  }
.LBB2_1:
0xf: {  	[dreg:$0x7] =	wrdreg s1;
	s0 =	simm.s32 $0x0  }
.LBB2_2:
0x10: {  	s10 =	sshll.u32 s0, $0xA;
	s1 =	rddreg [dreg:$0x5]  }
0x11: {  	[dreg:$0x8] =	wrdreg s0;
	s0 =	sadd.s32 s1, s10  }
0x12: {  	s2 =	rddreg [dreg:$0x1];
	s1 =	sshrl.u32 s0, $0x3  }
0x13: {  	s5 =	sadd.s32 s2, s1  }
0x14: {  	[tilespmem:s3], [sflag:$0x2] =	stream.linear.gather [hbm4b:s5+s3], $0x400, $0x38;
	[tilespmem:$0x10800] =	vst v63  }
0x15: {  	_ =	swait.ge [sflag:s9], $0x400  }
0x16: {  	[sflag:s9] =	ssyncset.done $0x0;
	s30 =	rddreg [dreg:$0x4]  }
0x17: {  	s31 =	simm.s32 $0x400;
	[sflag:s9] =	ssyncadd.s32 $0xFFFFFC00;
	s1 =	sadd.s32 s30, s1  }
0x18: {  	[tilespmem:s31], [sflag:$0x2] =	stream.linear.gather [hbm4b:s1+s3], $0x400, $0x38;
	[tilespmem:$0x10800] =	vst v63  }
0x19: {  	_ =	swait.ge [sflag:s9], $0x400  }
0x1a: {  	[sflag:s9] =	ssyncset.done $0x0  }
0x1b: {  	s8 =	simm.s32 $0x0;
	[sflag:s9] =	ssyncadd.s32 $0xFFFFFC00  }
.LBB2_3:
0x1c: {  	s30 =	sshll.u32 s8, $0x8  }
0x1d: {  	v0 =	vld [tilespmem:s30+$0x0];
	_ =	sdelay $0x7  }
0x1e: {  	[tilespmem:s11], [sflag:$0x1] =	stream.indirect_vreg.gather [hbm4b:s4+s3], $0x80, v0, vm0, $0xb8;
	[tilespmem:$0x10800] =	vst v63  }
0x1f: {  	v0 =	vld [tilespmem:s30+$0x10];
	_ =	sdelay $0x7  }
0x20: {  	[tilespmem:s12], [sflag:$0x1] =	stream.indirect_vreg.gather [hbm4b:s4+s3], $0x80, v0, vm0, $0xb8;
	[tilespmem:$0x10800] =	vst v63  }
0x21: {  	v0 =	vld [tilespmem:s30+$0x20];
	_ =	sdelay $0x7  }
0x22: {  	[tilespmem:s13], [sflag:$0x1] =	stream.indirect_vreg.gather [hbm4b:s4+s3], $0x80, v0, vm0, $0xb8;
	[tilespmem:$0x10800] =	vst v63  }
0x23: {  	v0 =	vld [tilespmem:s30+$0x30];
	_ =	sdelay $0x7  }
0x24: {  	[tilespmem:s14], [sflag:$0x1] =	stream.indirect_vreg.gather [hbm4b:s4+s3], $0x80, v0, vm0, $0xb8;
	[tilespmem:$0x10800] =	vst v63  }
0x25: {  	v0 =	vld [tilespmem:s30+$0x40];
	_ =	sdelay $0x7  }
0x26: {  	[tilespmem:s15], [sflag:$0x1] =	stream.indirect_vreg.gather [hbm4b:s4+s3], $0x80, v0, vm0, $0xb8;
	[tilespmem:$0x10800] =	vst v63  }
0x27: {  	v0 =	vld [tilespmem:s30+$0x50];
	_ =	sdelay $0x7  }
0x28: {  	[tilespmem:s16], [sflag:$0x1] =	stream.indirect_vreg.gather [hbm4b:s4+s3], $0x80, v0, vm0, $0xb8;
	[tilespmem:$0x10800] =	vst v63  }
0x29: {  	v0 =	vld [tilespmem:s30+$0x60];
	_ =	sdelay $0x7  }
0x2a: {  	[tilespmem:s17], [sflag:$0x1] =	stream.indirect_vreg.gather [hbm4b:s4+s3], $0x80, v0, vm0, $0xb8;
	[tilespmem:$0x10800] =	vst v63  }
0x2b: {  	v0 =	vld [tilespmem:s30+$0x70];
	_ =	sdelay $0x7  }
0x2c: {  	[tilespmem:s18], [sflag:$0x1] =	stream.indirect_vreg.gather [hbm4b:s4+s3], $0x80, v0, vm0, $0xb8;
	[tilespmem:$0x10800] =	vst v63  }
0x2d: {  	v0 =	vld [tilespmem:s30+$0x80];
	_ =	sdelay $0x7  }
0x2e: {  	[tilespmem:s19], [sflag:$0x1] =	stream.indirect_vreg.gather [hbm4b:s4+s3], $0x80, v0, vm0, $0xb8;
	[tilespmem:$0x10800] =	vst v63  }
0x2f: {  	v0 =	vld [tilespmem:s30+$0x90];
	_ =	sdelay $0x7  }
0x30: {  	[tilespmem:s20], [sflag:$0x1] =	stream.indirect_vreg.gather [hbm4b:s4+s3], $0x80, v0, vm0, $0xb8;
	[tilespmem:$0x10800] =	vst v63  }
0x31: {  	v0 =	vld [tilespmem:s30+$0xA0];
	_ =	sdelay $0x7  }
0x32: {  	[tilespmem:s21], [sflag:$0x1] =	stream.indirect_vreg.gather [hbm4b:s4+s3], $0x80, v0, vm0, $0xb8;
	[tilespmem:$0x10800] =	vst v63  }
0x33: {  	v0 =	vld [tilespmem:s30+$0xB0];
	_ =	sdelay $0x7  }
0x34: {  	[tilespmem:s22], [sflag:$0x1] =	stream.indirect_vreg.gather [hbm4b:s4+s3], $0x80, v0, vm0, $0xb8;
	[tilespmem:$0x10800] =	vst v63  }
0x35: {  	v0 =	vld [tilespmem:s30+$0xC0];
	_ =	sdelay $0x7  }
0x36: {  	[tilespmem:s23], [sflag:$0x1] =	stream.indirect_vreg.gather [hbm4b:s4+s3], $0x80, v0, vm0, $0xb8;
	[tilespmem:$0x10800] =	vst v63  }
0x37: {  	v0 =	vld [tilespmem:s30+$0xD0];
	_ =	sdelay $0x7  }
0x38: {  	[tilespmem:s24], [sflag:$0x1] =	stream.indirect_vreg.gather [hbm4b:s4+s3], $0x80, v0, vm0, $0xb8;
	[tilespmem:$0x10800] =	vst v63  }
0x39: {  	v0 =	vld [tilespmem:s30+$0xE0];
	_ =	sdelay $0x7  }
0x3a: {  	[tilespmem:s25], [sflag:$0x1] =	stream.indirect_vreg.gather [hbm4b:s4+s3], $0x80, v0, vm0, $0xb8;
	[tilespmem:$0x10800] =	vst v63  }
0x3b: {  	v0 =	vld [tilespmem:s30+$0xF0];
	_ =	sdelay $0x7  }
0x3c: {  	[tilespmem:s26], [sflag:$0x1] =	stream.indirect_vreg.gather [hbm4b:s4+s3], $0x80, v0, vm0, $0xb8;
	[tilespmem:$0x10800] =	vst v63  }
0x3d: {  	_ =	swait.ge [sflag:s28], $0x800  }
0x3e: {  	[sflag:s28] =	ssyncset.done $0x0  }
0x3f: {  	[sflag:s28] =	ssyncadd.s32 $0xFFFFF800  }
0x40: {  	_ =	swait.ge [sflag:s28], $0x800  }
0x41: {  	[sflag:s28] =	ssyncset.done $0x0  }
0x42: {  	[sflag:s28] =	ssyncadd.s32 $0xFFFFF800  }
0x43: {  	_ =	swait.ge [sflag:s28], $0x800  }
0x44: {  	[sflag:s28] =	ssyncset.done $0x0  }
0x45: {  	[sflag:s28] =	ssyncadd.s32 $0xFFFFF800  }
0x46: {  	_ =	swait.ge [sflag:s28], $0x800  }
0x47: {  	[sflag:s28] =	ssyncset.done $0x0  }
0x48: {  	[sflag:s28] =	ssyncadd.s32 $0xFFFFF800  }
0x49: {  	_ =	swait.ge [sflag:s28], $0x800  }
0x4a: {  	[sflag:s28] =	ssyncset.done $0x0  }
0x4b: {  	[sflag:s28] =	ssyncadd.s32 $0xFFFFF800  }
0x4c: {  	_ =	swait.ge [sflag:s28], $0x800  }
0x4d: {  	[sflag:s28] =	ssyncset.done $0x0  }
0x4e: {  	[sflag:s28] =	ssyncadd.s32 $0xFFFFF800  }
0x4f: {  	_ =	swait.ge [sflag:s28], $0x800  }
0x50: {  	[sflag:s28] =	ssyncset.done $0x0  }
0x51: {  	[sflag:s28] =	ssyncadd.s32 $0xFFFFF800  }
0x52: {  	_ =	swait.ge [sflag:s28], $0x800  }
0x53: {  	[sflag:s28] =	ssyncset.done $0x0  }
0x54: {  	[sflag:s28] =	ssyncadd.s32 $0xFFFFF800  }
0x55: {  	_ =	swait.ge [sflag:s28], $0x800  }
0x56: {  	[sflag:s28] =	ssyncset.done $0x0  }
0x57: {  	[sflag:s28] =	ssyncadd.s32 $0xFFFFF800  }
0x58: {  	_ =	swait.ge [sflag:s28], $0x800  }
0x59: {  	[sflag:s28] =	ssyncset.done $0x0  }
0x5a: {  	[sflag:s28] =	ssyncadd.s32 $0xFFFFF800  }
0x5b: {  	_ =	swait.ge [sflag:s28], $0x800  }
0x5c: {  	[sflag:s28] =	ssyncset.done $0x0  }
0x5d: {  	[sflag:s28] =	ssyncadd.s32 $0xFFFFF800  }
0x5e: {  	_ =	swait.ge [sflag:s28], $0x800  }
0x5f: {  	[sflag:s28] =	ssyncset.done $0x0  }
0x60: {  	[sflag:s28] =	ssyncadd.s32 $0xFFFFF800  }
0x61: {  	_ =	swait.ge [sflag:s28], $0x800  }
0x62: {  	[sflag:s28] =	ssyncset.done $0x0  }
0x63: {  	[sflag:s28] =	ssyncadd.s32 $0xFFFFF800  }
0x64: {  	_ =	swait.ge [sflag:s28], $0x800  }
0x65: {  	[sflag:s28] =	ssyncset.done $0x0  }
0x66: {  	[sflag:s28] =	ssyncadd.s32 $0xFFFFF800  }
0x67: {  	_ =	swait.ge [sflag:s28], $0x800  }
0x68: {  	[sflag:s28] =	ssyncset.done $0x0  }
0x69: {  	[sflag:s28] =	ssyncadd.s32 $0xFFFFF800  }
0x6a: {  	_ =	swait.ge [sflag:s28], $0x800  }
0x6b: {  	s10 =	simm.s32 $0x0;
	s1 =	sadd.s32 $0x400, s30;
	[sflag:s28] =	ssyncset.done $0x0  }
0x6c: {  	[dreg:$0x3] =	wrdreg s1;
	s1 =	simm.s32 $0x0;
	[sflag:s28] =	ssyncadd.s32 $0xFFFFF800  }
.LBB2_4:
0x6d: {  	s5 =	rddreg [dreg:$0x3];
	s7 =	sand.u32 $0x80, s1  }
0x6e: {  	s31 =	sand.u32 $0x70, s1;
	s5 =	sadd.s32 s7, s5  }
0x6f: {  	s5 =	sadd.s32 s31, s5  }
0x70: {  	v0 =	vld [tilespmem:s5+$0x0];
	_ =	sdelay $0x4  }
0x71: {  	(v2sf) =	vpush v0, $0x0;
	_ =	sdelay $0xe  }
0x72: {  	s7 =	spop (v2sf)  }
0x73: {  	s5 =	sand.u32 $0x7F, s7;
	s2 =	sshll.u32 s7, $0x2  }
0x74: {  	s31 =	sand.u32 $0xFFFFFE00, s2;
	s5 =	sshll.u32 s5, $0x2  }
0x75: {  	s5 =	sor.u32 s5, s31  }
0x76: {  	s31 =	sshra.s32 s5, $0x2;
	s5 =	sshra.s32 s10, $0x2  }
0x77: {  	s31 =	sadd.s32 s5, s31  }
0x78: {  	v1 =	vld [tilespmem:s31+$0x800];
	_ =	sdelay $0x1  }
0x79: {  	s31 =	sadd.s32 $0x10, s7  }
0x7a: {  	s2 =	sand.u32 $0x7F, s31;
	s31 =	sshll.u32 s31, $0x2  }
0x7b: {  	s31 =	sand.u32 $0xFFFFFE00, s31;
	s2 =	sshll.u32 s2, $0x2  }
0x7c: {  	s2 =	sor.u32 s2, s31;
	v1 =	vmul.f32 $8.000000000e+00, v1  }
0x7d: {  	s2 =	sshra.s32 s2, $0x2  }
0x7e: {  	s2 =	sadd.s32 s5, s2;
	[tilespmem:s5+$0x8800] =	vst v1  }
0x7f: {  	v1 =	vld [tilespmem:s2+$0x800];
	_ =	sdelay $0x1  }
0x80: {  	s2 =	sadd.s32 $0x20, s7  }
0x81: {  	(v2sf) =	vpush v0, $0x1;
	s31 =	sand.u32 $0x7F, s2;
	s2 =	sshll.u32 s2, $0x2  }
0x82: {  	s2 =	sand.u32 $0xFFFFFE00, s2;
	s31 =	sshll.u32 s31, $0x2  }
0x83: {  	s2 =	sor.u32 s31, s2;
	v1 =	vmul.f32 $8.000000000e+00, v1  }
0x84: {  	s2 =	sshra.s32 s2, $0x2  }
0x85: {  	s2 =	sadd.s32 s5, s2;
	[tilespmem:s5+$0x8810] =	vst v1  }
0x86: {  	v1 =	vld [tilespmem:s2+$0x800];
	_ =	sdelay $0x1  }
0x87: {  	s31 =	sadd.s32 $0x30, s7  }
0x88: {  	s7 =	sand.u32 $0x7F, s31;
	s2 =	sshll.u32 s31, $0x2  }
0x89: {  	s7 =	sshll.u32 s7, $0x2;
	s2 =	sand.u32 $0xFFFFFE00, s2  }
0x8a: {  	s2 =	sor.u32 s7, s2;
	v1 =	vmul.f32 $8.000000000e+00, v1  }
0x8b: {  	s2 =	sshra.s32 s2, $0x2  }
0x8c: {  	s2 =	sadd.s32 s5, s2;
	[tilespmem:s5+$0x8820] =	vst v1  }
0x8d: {  	v1 =	vld [tilespmem:s2+$0x800];
	_ =	sdelay $0x1  }
0x8e: {  	s2 =	spop (v2sf)  }
0x8f: {  	s7 =	sand.u32 $0x7F, s2;
	s31 =	sshll.u32 s2, $0x2  }
0x90: {  	s31 =	sand.u32 $0xFFFFFE00, s31;
	s7 =	sshll.u32 s7, $0x2  }
0x91: {  	s7 =	sor.u32 s7, s31;
	v1 =	vmul.f32 $8.000000000e+00, v1  }
0x92: {  	s7 =	sshra.s32 s7, $0x2  }
0x93: {  	s7 =	sadd.s32 s5, s7;
	[tilespmem:s5+$0x8830] =	vst v1  }
0x94: {  	v1 =	vld [tilespmem:s7+$0x880];
	_ =	sdelay $0x1  }
0x95: {  	s7 =	sadd.s32 $0x10, s2  }
0x96: {  	s31 =	sand.u32 $0x7F, s7;
	s7 =	sshll.u32 s7, $0x2  }
0x97: {  	s7 =	sand.u32 $0xFFFFFE00, s7;
	s31 =	sshll.u32 s31, $0x2  }
0x98: {  	s7 =	sor.u32 s31, s7;
	v1 =	vmul.f32 $8.000000000e+00, v1  }
0x99: {  	s7 =	sshra.s32 s7, $0x2  }
0x9a: {  	s7 =	sadd.s32 s5, s7;
	[tilespmem:s5+$0x8880] =	vst v1  }
0x9b: {  	v1 =	vld [tilespmem:s7+$0x880];
	_ =	sdelay $0x1  }
0x9c: {  	s7 =	sadd.s32 $0x20, s2  }
0x9d: {  	(v2sf) =	vpush v0, $0x2;
	s31 =	sand.u32 $0x7F, s7;
	s7 =	sshll.u32 s7, $0x2  }
0x9e: {  	s7 =	sand.u32 $0xFFFFFE00, s7;
	s31 =	sshll.u32 s31, $0x2  }
0x9f: {  	s7 =	sor.u32 s31, s7;
	v1 =	vmul.f32 $8.000000000e+00, v1  }
0xa0: {  	s7 =	sshra.s32 s7, $0x2  }
0xa1: {  	s7 =	sadd.s32 s5, s7;
	[tilespmem:s5+$0x8890] =	vst v1  }
0xa2: {  	v1 =	vld [tilespmem:s7+$0x880];
	_ =	sdelay $0x1  }
0xa3: {  	s2 =	sadd.s32 $0x30, s2  }
0xa4: {  	s31 =	sand.u32 $0x7F, s2;
	s2 =	sshll.u32 s2, $0x2  }
0xa5: {  	s2 =	sand.u32 $0xFFFFFE00, s2;
	s7 =	sshll.u32 s31, $0x2  }
0xa6: {  	s2 =	sor.u32 s7, s2;
	v1 =	vmul.f32 $8.000000000e+00, v1  }
0xa7: {  	s2 =	sshra.s32 s2, $0x2  }
0xa8: {  	s2 =	sadd.s32 s5, s2;
	[tilespmem:s5+$0x88A0] =	vst v1  }
0xa9: {  	v1 =	vld [tilespmem:s2+$0x880];
	_ =	sdelay $0x1  }
0xaa: {  	s2 =	spop (v2sf)  }
0xab: {  	s7 =	sand.u32 $0x7F, s2;
	s31 =	sshll.u32 s2, $0x2  }
0xac: {  	s31 =	sand.u32 $0xFFFFFE00, s31;
	s7 =	sshll.u32 s7, $0x2  }
0xad: {  	s7 =	sor.u32 s7, s31;
	v1 =	vmul.f32 $8.000000000e+00, v1  }
0xae: {  	s7 =	sshra.s32 s7, $0x2  }
0xaf: {  	s7 =	sadd.s32 s5, s7;
	[tilespmem:s5+$0x88B0] =	vst v1  }
0xb0: {  	v1 =	vld [tilespmem:s7+$0x900];
	_ =	sdelay $0x1  }
0xb1: {  	s7 =	sadd.s32 $0x10, s2  }
0xb2: {  	s31 =	sand.u32 $0x7F, s7;
	s7 =	sshll.u32 s7, $0x2  }
0xb3: {  	s7 =	sand.u32 $0xFFFFFE00, s7;
	s31 =	sshll.u32 s31, $0x2  }
0xb4: {  	s7 =	sor.u32 s31, s7;
	v1 =	vmul.f32 $8.000000000e+00, v1  }
0xb5: {  	s7 =	sshra.s32 s7, $0x2  }
0xb6: {  	s7 =	sadd.s32 s5, s7;
	[tilespmem:s5+$0x8900] =	vst v1  }
0xb7: {  	v1 =	vld [tilespmem:s7+$0x900];
	_ =	sdelay $0x1  }
0xb8: {  	s7 =	sadd.s32 $0x20, s2  }
0xb9: {  	(v2sf) =	vpush v0, $0x3;
	s31 =	sand.u32 $0x7F, s7;
	s7 =	sshll.u32 s7, $0x2  }
0xba: {  	s7 =	sand.u32 $0xFFFFFE00, s7;
	s31 =	sshll.u32 s31, $0x2  }
0xbb: {  	s7 =	sor.u32 s31, s7;
	v1 =	vmul.f32 $8.000000000e+00, v1  }
0xbc: {  	s7 =	sshra.s32 s7, $0x2  }
0xbd: {  	s7 =	sadd.s32 s5, s7;
	[tilespmem:s5+$0x8910] =	vst v1  }
0xbe: {  	v1 =	vld [tilespmem:s7+$0x900];
	_ =	sdelay $0x1  }
0xbf: {  	s2 =	sadd.s32 $0x30, s2  }
0xc0: {  	s31 =	sand.u32 $0x7F, s2;
	s2 =	sshll.u32 s2, $0x2  }
0xc1: {  	s2 =	sand.u32 $0xFFFFFE00, s2;
	s7 =	sshll.u32 s31, $0x2  }
0xc2: {  	s2 =	sor.u32 s7, s2;
	v1 =	vmul.f32 $8.000000000e+00, v1  }
0xc3: {  	s2 =	sshra.s32 s2, $0x2  }
0xc4: {  	s2 =	sadd.s32 s5, s2;
	[tilespmem:s5+$0x8920] =	vst v1  }
0xc5: {  	v1 =	vld [tilespmem:s2+$0x900];
	_ =	sdelay $0x1  }
0xc6: {  	s2 =	spop (v2sf)  }
0xc7: {  	s7 =	sand.u32 $0x7F, s2;
	s31 =	sshll.u32 s2, $0x2  }
0xc8: {  	s31 =	sand.u32 $0xFFFFFE00, s31;
	s7 =	sshll.u32 s7, $0x2  }
0xc9: {  	s7 =	sor.u32 s7, s31;
	v1 =	vmul.f32 $8.000000000e+00, v1  }
0xca: {  	s7 =	sshra.s32 s7, $0x2  }
0xcb: {  	s7 =	sadd.s32 s5, s7;
	[tilespmem:s5+$0x8930] =	vst v1  }
0xcc: {  	v1 =	vld [tilespmem:s7+$0x980];
	_ =	sdelay $0x1  }
0xcd: {  	s7 =	sadd.s32 $0x10, s2  }
0xce: {  	s31 =	sand.u32 $0x7F, s7;
	s7 =	sshll.u32 s7, $0x2  }
0xcf: {  	s7 =	sand.u32 $0xFFFFFE00, s7;
	s31 =	sshll.u32 s31, $0x2  }
0xd0: {  	s7 =	sor.u32 s31, s7;
	v1 =	vmul.f32 $8.000000000e+00, v1  }
0xd1: {  	s7 =	sshra.s32 s7, $0x2  }
0xd2: {  	s7 =	sadd.s32 s5, s7;
	[tilespmem:s5+$0x8980] =	vst v1  }
0xd3: {  	v1 =	vld [tilespmem:s7+$0x980];
	_ =	sdelay $0x1  }
0xd4: {  	s7 =	sadd.s32 $0x20, s2  }
0xd5: {  	(v2sf) =	vpush v0, $0x4;
	s31 =	sand.u32 $0x7F, s7;
	s7 =	sshll.u32 s7, $0x2  }
0xd6: {  	s7 =	sand.u32 $0xFFFFFE00, s7;
	s31 =	sshll.u32 s31, $0x2  }
0xd7: {  	s7 =	sor.u32 s31, s7;
	v1 =	vmul.f32 $8.000000000e+00, v1  }
0xd8: {  	s7 =	sshra.s32 s7, $0x2  }
0xd9: {  	s7 =	sadd.s32 s5, s7;
	[tilespmem:s5+$0x8990] =	vst v1  }
0xda: {  	v1 =	vld [tilespmem:s7+$0x980];
	_ =	sdelay $0x1  }
0xdb: {  	s2 =	sadd.s32 $0x30, s2  }
0xdc: {  	s31 =	sand.u32 $0x7F, s2;
	s2 =	sshll.u32 s2, $0x2  }
0xdd: {  	s2 =	sand.u32 $0xFFFFFE00, s2;
	s7 =	sshll.u32 s31, $0x2  }
0xde: {  	s2 =	sor.u32 s7, s2;
	v1 =	vmul.f32 $8.000000000e+00, v1  }
0xdf: {  	s2 =	sshra.s32 s2, $0x2  }
0xe0: {  	s2 =	sadd.s32 s5, s2;
	[tilespmem:s5+$0x89A0] =	vst v1  }
0xe1: {  	v1 =	vld [tilespmem:s2+$0x980];
	_ =	sdelay $0x1  }
0xe2: {  	s2 =	spop (v2sf)  }
0xe3: {  	s7 =	sand.u32 $0x7F, s2;
	s31 =	sshll.u32 s2, $0x2  }
0xe4: {  	s31 =	sand.u32 $0xFFFFFE00, s31;
	s7 =	sshll.u32 s7, $0x2  }
0xe5: {  	s7 =	sor.u32 s7, s31;
	v1 =	vmul.f32 $8.000000000e+00, v1  }
0xe6: {  	s7 =	sshra.s32 s7, $0x2  }
0xe7: {  	s7 =	sadd.s32 s5, s7;
	[tilespmem:s5+$0x89B0] =	vst v1  }
0xe8: {  	v1 =	vld [tilespmem:s7+$0xA00];
	_ =	sdelay $0x1  }
0xe9: {  	s7 =	sadd.s32 $0x10, s2  }
0xea: {  	s31 =	sand.u32 $0x7F, s7;
	s7 =	sshll.u32 s7, $0x2  }
0xeb: {  	s7 =	sand.u32 $0xFFFFFE00, s7;
	s31 =	sshll.u32 s31, $0x2  }
0xec: {  	s7 =	sor.u32 s31, s7;
	v1 =	vmul.f32 $8.000000000e+00, v1  }
0xed: {  	s7 =	sshra.s32 s7, $0x2  }
0xee: {  	s7 =	sadd.s32 s5, s7;
	[tilespmem:s5+$0x8A00] =	vst v1  }
0xef: {  	v1 =	vld [tilespmem:s7+$0xA00];
	_ =	sdelay $0x1  }
0xf0: {  	s7 =	sadd.s32 $0x20, s2  }
0xf1: {  	(v2sf) =	vpush v0, $0x5;
	s31 =	sand.u32 $0x7F, s7;
	s7 =	sshll.u32 s7, $0x2  }
0xf2: {  	s7 =	sand.u32 $0xFFFFFE00, s7;
	s31 =	sshll.u32 s31, $0x2  }
0xf3: {  	s7 =	sor.u32 s31, s7;
	v1 =	vmul.f32 $8.000000000e+00, v1  }
0xf4: {  	s7 =	sshra.s32 s7, $0x2  }
0xf5: {  	s7 =	sadd.s32 s5, s7;
	[tilespmem:s5+$0x8A10] =	vst v1  }
0xf6: {  	v1 =	vld [tilespmem:s7+$0xA00];
	_ =	sdelay $0x1  }
0xf7: {  	s2 =	sadd.s32 $0x30, s2  }
0xf8: {  	s31 =	sand.u32 $0x7F, s2;
	s2 =	sshll.u32 s2, $0x2  }
0xf9: {  	s2 =	sand.u32 $0xFFFFFE00, s2;
	s7 =	sshll.u32 s31, $0x2  }
0xfa: {  	s2 =	sor.u32 s7, s2;
	v1 =	vmul.f32 $8.000000000e+00, v1  }
0xfb: {  	s2 =	sshra.s32 s2, $0x2  }
0xfc: {  	s2 =	sadd.s32 s5, s2;
	[tilespmem:s5+$0x8A20] =	vst v1  }
0xfd: {  	v1 =	vld [tilespmem:s2+$0xA00];
	_ =	sdelay $0x1  }
0xfe: {  	s2 =	spop (v2sf)  }
0xff: {  	s7 =	sand.u32 $0x7F, s2;
	s31 =	sshll.u32 s2, $0x2  }
0x100: {  	s31 =	sand.u32 $0xFFFFFE00, s31;
	s7 =	sshll.u32 s7, $0x2  }
0x101: {  	s7 =	sor.u32 s7, s31;
	v1 =	vmul.f32 $8.000000000e+00, v1  }
0x102: {  	s7 =	sshra.s32 s7, $0x2  }
0x103: {  	s7 =	sadd.s32 s5, s7;
	[tilespmem:s5+$0x8A30] =	vst v1  }
0x104: {  	v1 =	vld [tilespmem:s7+$0xA80];
	_ =	sdelay $0x1  }
0x105: {  	s7 =	sadd.s32 $0x10, s2  }
0x106: {  	s31 =	sand.u32 $0x7F, s7;
	s7 =	sshll.u32 s7, $0x2  }
0x107: {  	s7 =	sand.u32 $0xFFFFFE00, s7;
	s31 =	sshll.u32 s31, $0x2  }
0x108: {  	s7 =	sor.u32 s31, s7;
	v1 =	vmul.f32 $8.000000000e+00, v1  }
0x109: {  	s7 =	sshra.s32 s7, $0x2  }
0x10a: {  	s7 =	sadd.s32 s5, s7;
	[tilespmem:s5+$0x8A80] =	vst v1  }
0x10b: {  	v1 =	vld [tilespmem:s7+$0xA80];
	_ =	sdelay $0x1  }
0x10c: {  	s7 =	sadd.s32 $0x20, s2  }
0x10d: {  	(v2sf) =	vpush v0, $0x6;
	s31 =	sand.u32 $0x7F, s7;
	s7 =	sshll.u32 s7, $0x2  }
0x10e: {  	s7 =	sand.u32 $0xFFFFFE00, s7;
	s31 =	sshll.u32 s31, $0x2  }
0x10f: {  	s7 =	sor.u32 s31, s7;
	v1 =	vmul.f32 $8.000000000e+00, v1  }
0x110: {  	s7 =	sshra.s32 s7, $0x2  }
0x111: {  	s7 =	sadd.s32 s5, s7;
	[tilespmem:s5+$0x8A90] =	vst v1  }
0x112: {  	v1 =	vld [tilespmem:s7+$0xA80];
	_ =	sdelay $0x1  }
0x113: {  	s2 =	sadd.s32 $0x30, s2  }
0x114: {  	s31 =	sand.u32 $0x7F, s2;
	s2 =	sshll.u32 s2, $0x2  }
0x115: {  	s2 =	sand.u32 $0xFFFFFE00, s2;
	s7 =	sshll.u32 s31, $0x2  }
0x116: {  	s2 =	sor.u32 s7, s2;
	v1 =	vmul.f32 $8.000000000e+00, v1  }
0x117: {  	s2 =	sshra.s32 s2, $0x2  }
0x118: {  	s2 =	sadd.s32 s5, s2;
	[tilespmem:s5+$0x8AA0] =	vst v1  }
0x119: {  	v1 =	vld [tilespmem:s2+$0xA80];
	_ =	sdelay $0x1  }
0x11a: {  	s2 =	spop (v2sf)  }
0x11b: {  	s7 =	sand.u32 $0x7F, s2;
	s31 =	sshll.u32 s2, $0x2  }
0x11c: {  	s31 =	sand.u32 $0xFFFFFE00, s31;
	s7 =	sshll.u32 s7, $0x2  }
0x11d: {  	s7 =	sor.u32 s7, s31;
	v1 =	vmul.f32 $8.000000000e+00, v1  }
0x11e: {  	s7 =	sshra.s32 s7, $0x2  }
0x11f: {  	s7 =	sadd.s32 s5, s7;
	[tilespmem:s5+$0x8AB0] =	vst v1  }
0x120: {  	v1 =	vld [tilespmem:s7+$0xB00];
	_ =	sdelay $0x1  }
0x121: {  	s7 =	sadd.s32 $0x10, s2  }
0x122: {  	s31 =	sand.u32 $0x7F, s7;
	s7 =	sshll.u32 s7, $0x2  }
0x123: {  	s7 =	sand.u32 $0xFFFFFE00, s7;
	s31 =	sshll.u32 s31, $0x2  }
0x124: {  	s7 =	sor.u32 s31, s7;
	v1 =	vmul.f32 $8.000000000e+00, v1  }
0x125: {  	s7 =	sshra.s32 s7, $0x2  }
0x126: {  	s7 =	sadd.s32 s5, s7;
	[tilespmem:s5+$0x8B00] =	vst v1  }
0x127: {  	v1 =	vld [tilespmem:s7+$0xB00];
	_ =	sdelay $0x1  }
0x128: {  	s7 =	sadd.s32 $0x20, s2  }
0x129: {  	(v2sf) =	vpush v0, $0x7;
	s31 =	sand.u32 $0x7F, s7;
	s7 =	sshll.u32 s7, $0x2  }
0x12a: {  	s7 =	sand.u32 $0xFFFFFE00, s7;
	s31 =	sshll.u32 s31, $0x2  }
0x12b: {  	s7 =	sor.u32 s31, s7;
	v1 =	vmul.f32 $8.000000000e+00, v1  }
0x12c: {  	s7 =	sshra.s32 s7, $0x2  }
0x12d: {  	s7 =	sadd.s32 s5, s7;
	[tilespmem:s5+$0x8B10] =	vst v1  }
0x12e: {  	v1 =	vld [tilespmem:s7+$0xB00];
	_ =	sdelay $0x1  }
0x12f: {  	s2 =	sadd.s32 $0x30, s2  }
0x130: {  	s31 =	sand.u32 $0x7F, s2;
	s2 =	sshll.u32 s2, $0x2  }
0x131: {  	s2 =	sand.u32 $0xFFFFFE00, s2;
	s7 =	sshll.u32 s31, $0x2  }
0x132: {  	s2 =	sor.u32 s7, s2;
	v1 =	vmul.f32 $8.000000000e+00, v1  }
0x133: {  	s2 =	sshra.s32 s2, $0x2  }
0x134: {  	s2 =	sadd.s32 s5, s2;
	[tilespmem:s5+$0x8B20] =	vst v1  }
0x135: {  	v1 =	vld [tilespmem:s2+$0xB00];
	_ =	sdelay $0x1  }
0x136: {  	s2 =	spop (v2sf)  }
0x137: {  	s7 =	sand.u32 $0x7F, s2;
	s31 =	sshll.u32 s2, $0x2  }
0x138: {  	s31 =	sand.u32 $0xFFFFFE00, s31;
	s7 =	sshll.u32 s7, $0x2  }
0x139: {  	s7 =	sor.u32 s7, s31;
	v1 =	vmul.f32 $8.000000000e+00, v1  }
0x13a: {  	s7 =	sshra.s32 s7, $0x2  }
0x13b: {  	s7 =	sadd.s32 s5, s7;
	[tilespmem:s5+$0x8B30] =	vst v1  }
0x13c: {  	v1 =	vld [tilespmem:s7+$0xB80];
	_ =	sdelay $0x1  }
0x13d: {  	s7 =	sadd.s32 $0x10, s2  }
0x13e: {  	s31 =	sand.u32 $0x7F, s7;
	s7 =	sshll.u32 s7, $0x2  }
0x13f: {  	s7 =	sand.u32 $0xFFFFFE00, s7;
	s31 =	sshll.u32 s31, $0x2  }
0x140: {  	s7 =	sor.u32 s31, s7;
	v1 =	vmul.f32 $8.000000000e+00, v1  }
0x141: {  	s7 =	sshra.s32 s7, $0x2  }
0x142: {  	s7 =	sadd.s32 s5, s7;
	[tilespmem:s5+$0x8B80] =	vst v1  }
0x143: {  	v1 =	vld [tilespmem:s7+$0xB80];
	_ =	sdelay $0x1  }
0x144: {  	s7 =	sadd.s32 $0x20, s2  }
0x145: {  	(v2sf) =	vpush v0, $0x8;
	s31 =	sand.u32 $0x7F, s7;
	s7 =	sshll.u32 s7, $0x2  }
0x146: {  	s7 =	sand.u32 $0xFFFFFE00, s7;
	s31 =	sshll.u32 s31, $0x2  }
0x147: {  	s7 =	sor.u32 s31, s7;
	v1 =	vmul.f32 $8.000000000e+00, v1  }
0x148: {  	s7 =	sshra.s32 s7, $0x2  }
0x149: {  	s7 =	sadd.s32 s5, s7;
	[tilespmem:s5+$0x8B90] =	vst v1  }
0x14a: {  	v1 =	vld [tilespmem:s7+$0xB80];
	_ =	sdelay $0x1  }
0x14b: {  	s2 =	sadd.s32 $0x30, s2  }
0x14c: {  	s31 =	sand.u32 $0x7F, s2;
	s2 =	sshll.u32 s2, $0x2  }
0x14d: {  	s2 =	sand.u32 $0xFFFFFE00, s2;
	s7 =	sshll.u32 s31, $0x2  }
0x14e: {  	s2 =	sor.u32 s7, s2;
	v1 =	vmul.f32 $8.000000000e+00, v1  }
0x14f: {  	s2 =	sshra.s32 s2, $0x2  }
0x150: {  	s2 =	sadd.s32 s5, s2;
	[tilespmem:s5+$0x8BA0] =	vst v1  }
0x151: {  	v1 =	vld [tilespmem:s2+$0xB80];
	_ =	sdelay $0x1  }
0x152: {  	s2 =	spop (v2sf)  }
0x153: {  	s7 =	sand.u32 $0x7F, s2;
	s31 =	sshll.u32 s2, $0x2  }
0x154: {  	s31 =	sand.u32 $0xFFFFFE00, s31;
	s7 =	sshll.u32 s7, $0x2  }
0x155: {  	s7 =	sor.u32 s7, s31;
	v1 =	vmul.f32 $8.000000000e+00, v1  }
0x156: {  	s7 =	sshra.s32 s7, $0x2  }
0x157: {  	s7 =	sadd.s32 s5, s7;
	[tilespmem:s5+$0x8BB0] =	vst v1  }
0x158: {  	v1 =	vld [tilespmem:s7+$0xC00];
	_ =	sdelay $0x1  }
0x159: {  	s7 =	sadd.s32 $0x10, s2  }
0x15a: {  	s31 =	sand.u32 $0x7F, s7;
	s7 =	sshll.u32 s7, $0x2  }
0x15b: {  	s7 =	sand.u32 $0xFFFFFE00, s7;
	s31 =	sshll.u32 s31, $0x2  }
0x15c: {  	s7 =	sor.u32 s31, s7;
	v1 =	vmul.f32 $8.000000000e+00, v1  }
0x15d: {  	s7 =	sshra.s32 s7, $0x2  }
0x15e: {  	s7 =	sadd.s32 s5, s7;
	[tilespmem:s5+$0x8C00] =	vst v1  }
0x15f: {  	v1 =	vld [tilespmem:s7+$0xC00];
	_ =	sdelay $0x1  }
0x160: {  	s7 =	sadd.s32 $0x20, s2  }
0x161: {  	(v2sf) =	vpush v0, $0x9;
	s31 =	sand.u32 $0x7F, s7;
	s7 =	sshll.u32 s7, $0x2  }
0x162: {  	s7 =	sand.u32 $0xFFFFFE00, s7;
	s31 =	sshll.u32 s31, $0x2  }
0x163: {  	s7 =	sor.u32 s31, s7;
	v1 =	vmul.f32 $8.000000000e+00, v1  }
0x164: {  	s7 =	sshra.s32 s7, $0x2  }
0x165: {  	s7 =	sadd.s32 s5, s7;
	[tilespmem:s5+$0x8C10] =	vst v1  }
0x166: {  	v1 =	vld [tilespmem:s7+$0xC00];
	_ =	sdelay $0x1  }
0x167: {  	s2 =	sadd.s32 $0x30, s2  }
0x168: {  	s31 =	sand.u32 $0x7F, s2;
	s2 =	sshll.u32 s2, $0x2  }
0x169: {  	s2 =	sand.u32 $0xFFFFFE00, s2;
	s7 =	sshll.u32 s31, $0x2  }
0x16a: {  	s2 =	sor.u32 s7, s2;
	v1 =	vmul.f32 $8.000000000e+00, v1  }
0x16b: {  	s2 =	sshra.s32 s2, $0x2  }
0x16c: {  	s2 =	sadd.s32 s5, s2;
	[tilespmem:s5+$0x8C20] =	vst v1  }
0x16d: {  	v1 =	vld [tilespmem:s2+$0xC00];
	_ =	sdelay $0x1  }
0x16e: {  	s2 =	spop (v2sf)  }
0x16f: {  	s7 =	sand.u32 $0x7F, s2;
	s31 =	sshll.u32 s2, $0x2  }
0x170: {  	s31 =	sand.u32 $0xFFFFFE00, s31;
	s7 =	sshll.u32 s7, $0x2  }
0x171: {  	s7 =	sor.u32 s7, s31;
	v1 =	vmul.f32 $8.000000000e+00, v1  }
0x172: {  	s7 =	sshra.s32 s7, $0x2  }
0x173: {  	s7 =	sadd.s32 s5, s7;
	[tilespmem:s5+$0x8C30] =	vst v1  }
0x174: {  	v1 =	vld [tilespmem:s7+$0xC80];
	_ =	sdelay $0x1  }
0x175: {  	s7 =	sadd.s32 $0x10, s2  }
0x176: {  	s31 =	sand.u32 $0x7F, s7;
	s7 =	sshll.u32 s7, $0x2  }
0x177: {  	s7 =	sand.u32 $0xFFFFFE00, s7;
	s31 =	sshll.u32 s31, $0x2  }
0x178: {  	s7 =	sor.u32 s31, s7;
	v1 =	vmul.f32 $8.000000000e+00, v1  }
0x179: {  	s7 =	sshra.s32 s7, $0x2  }
0x17a: {  	s7 =	sadd.s32 s5, s7;
	[tilespmem:s5+$0x8C80] =	vst v1  }
0x17b: {  	v1 =	vld [tilespmem:s7+$0xC80];
	_ =	sdelay $0x1  }
0x17c: {  	s7 =	sadd.s32 $0x20, s2  }
0x17d: {  	(v2sf) =	vpush v0, $0xA;
	s31 =	sand.u32 $0x7F, s7;
	s7 =	sshll.u32 s7, $0x2  }
0x17e: {  	s7 =	sand.u32 $0xFFFFFE00, s7;
	s31 =	sshll.u32 s31, $0x2  }
0x17f: {  	s7 =	sor.u32 s31, s7;
	v1 =	vmul.f32 $8.000000000e+00, v1  }
0x180: {  	s7 =	sshra.s32 s7, $0x2  }
0x181: {  	s7 =	sadd.s32 s5, s7;
	[tilespmem:s5+$0x8C90] =	vst v1  }
0x182: {  	v1 =	vld [tilespmem:s7+$0xC80];
	_ =	sdelay $0x1  }
0x183: {  	s2 =	sadd.s32 $0x30, s2  }
0x184: {  	s31 =	sand.u32 $0x7F, s2;
	s2 =	sshll.u32 s2, $0x2  }
0x185: {  	s2 =	sand.u32 $0xFFFFFE00, s2;
	s7 =	sshll.u32 s31, $0x2  }
0x186: {  	s2 =	sor.u32 s7, s2;
	v1 =	vmul.f32 $8.000000000e+00, v1  }
0x187: {  	s2 =	sshra.s32 s2, $0x2  }
0x188: {  	s2 =	sadd.s32 s5, s2;
	[tilespmem:s5+$0x8CA0] =	vst v1  }
0x189: {  	v1 =	vld [tilespmem:s2+$0xC80];
	_ =	sdelay $0x1  }
0x18a: {  	s2 =	spop (v2sf)  }
0x18b: {  	s7 =	sand.u32 $0x7F, s2;
	s31 =	sshll.u32 s2, $0x2  }
0x18c: {  	s31 =	sand.u32 $0xFFFFFE00, s31;
	s7 =	sshll.u32 s7, $0x2  }
0x18d: {  	s7 =	sor.u32 s7, s31;
	v1 =	vmul.f32 $8.000000000e+00, v1  }
0x18e: {  	s7 =	sshra.s32 s7, $0x2  }
0x18f: {  	s7 =	sadd.s32 s5, s7;
	[tilespmem:s5+$0x8CB0] =	vst v1  }
0x190: {  	v1 =	vld [tilespmem:s7+$0xD00];
	_ =	sdelay $0x1  }
0x191: {  	s7 =	sadd.s32 $0x10, s2  }
0x192: {  	s31 =	sand.u32 $0x7F, s7;
	s7 =	sshll.u32 s7, $0x2  }
0x193: {  	s7 =	sand.u32 $0xFFFFFE00, s7;
	s31 =	sshll.u32 s31, $0x2  }
0x194: {  	s7 =	sor.u32 s31, s7;
	v1 =	vmul.f32 $8.000000000e+00, v1  }
0x195: {  	s7 =	sshra.s32 s7, $0x2  }
0x196: {  	s7 =	sadd.s32 s5, s7;
	[tilespmem:s5+$0x8D00] =	vst v1  }
0x197: {  	v1 =	vld [tilespmem:s7+$0xD00];
	_ =	sdelay $0x1  }
0x198: {  	s7 =	sadd.s32 $0x20, s2  }
0x199: {  	(v2sf) =	vpush v0, $0xB;
	s31 =	sand.u32 $0x7F, s7;
	s7 =	sshll.u32 s7, $0x2  }
0x19a: {  	s7 =	sand.u32 $0xFFFFFE00, s7;
	s31 =	sshll.u32 s31, $0x2  }
0x19b: {  	s7 =	sor.u32 s31, s7;
	v1 =	vmul.f32 $8.000000000e+00, v1  }
0x19c: {  	s7 =	sshra.s32 s7, $0x2  }
0x19d: {  	s7 =	sadd.s32 s5, s7;
	[tilespmem:s5+$0x8D10] =	vst v1  }
0x19e: {  	v1 =	vld [tilespmem:s7+$0xD00];
	_ =	sdelay $0x1  }
0x19f: {  	s2 =	sadd.s32 $0x30, s2  }
0x1a0: {  	s31 =	sand.u32 $0x7F, s2;
	s2 =	sshll.u32 s2, $0x2  }
0x1a1: {  	s2 =	sand.u32 $0xFFFFFE00, s2;
	s7 =	sshll.u32 s31, $0x2  }
0x1a2: {  	s2 =	sor.u32 s7, s2;
	v1 =	vmul.f32 $8.000000000e+00, v1  }
0x1a3: {  	s2 =	sshra.s32 s2, $0x2  }
0x1a4: {  	s2 =	sadd.s32 s5, s2;
	[tilespmem:s5+$0x8D20] =	vst v1  }
0x1a5: {  	v1 =	vld [tilespmem:s2+$0xD00];
	_ =	sdelay $0x1  }
0x1a6: {  	s2 =	spop (v2sf)  }
0x1a7: {  	s7 =	sand.u32 $0x7F, s2;
	s31 =	sshll.u32 s2, $0x2  }
0x1a8: {  	s31 =	sand.u32 $0xFFFFFE00, s31;
	s7 =	sshll.u32 s7, $0x2  }
0x1a9: {  	s7 =	sor.u32 s7, s31;
	v1 =	vmul.f32 $8.000000000e+00, v1  }
0x1aa: {  	s7 =	sshra.s32 s7, $0x2  }
0x1ab: {  	s7 =	sadd.s32 s5, s7;
	[tilespmem:s5+$0x8D30] =	vst v1  }
0x1ac: {  	v1 =	vld [tilespmem:s7+$0xD80];
	_ =	sdelay $0x1  }
0x1ad: {  	s7 =	sadd.s32 $0x10, s2  }
0x1ae: {  	s31 =	sand.u32 $0x7F, s7;
	s7 =	sshll.u32 s7, $0x2  }
0x1af: {  	s7 =	sand.u32 $0xFFFFFE00, s7;
	s31 =	sshll.u32 s31, $0x2  }
0x1b0: {  	s7 =	sor.u32 s31, s7;
	v1 =	vmul.f32 $8.000000000e+00, v1  }
0x1b1: {  	s7 =	sshra.s32 s7, $0x2  }
0x1b2: {  	s7 =	sadd.s32 s5, s7;
	[tilespmem:s5+$0x8D80] =	vst v1  }
0x1b3: {  	v1 =	vld [tilespmem:s7+$0xD80];
	_ =	sdelay $0x1  }
0x1b4: {  	s7 =	sadd.s32 $0x20, s2  }
0x1b5: {  	(v2sf) =	vpush v0, $0xC;
	s31 =	sand.u32 $0x7F, s7;
	s7 =	sshll.u32 s7, $0x2  }
0x1b6: {  	s7 =	sand.u32 $0xFFFFFE00, s7;
	s31 =	sshll.u32 s31, $0x2  }
0x1b7: {  	s7 =	sor.u32 s31, s7;
	v1 =	vmul.f32 $8.000000000e+00, v1  }
0x1b8: {  	s7 =	sshra.s32 s7, $0x2  }
0x1b9: {  	s7 =	sadd.s32 s5, s7;
	[tilespmem:s5+$0x8D90] =	vst v1  }
0x1ba: {  	v1 =	vld [tilespmem:s7+$0xD80];
	_ =	sdelay $0x1  }
0x1bb: {  	s2 =	sadd.s32 $0x30, s2  }
0x1bc: {  	s31 =	sand.u32 $0x7F, s2;
	s2 =	sshll.u32 s2, $0x2  }
0x1bd: {  	s2 =	sand.u32 $0xFFFFFE00, s2;
	s7 =	sshll.u32 s31, $0x2  }
0x1be: {  	s2 =	sor.u32 s7, s2;
	v1 =	vmul.f32 $8.000000000e+00, v1  }
0x1bf: {  	s2 =	sshra.s32 s2, $0x2  }
0x1c0: {  	s2 =	sadd.s32 s5, s2;
	[tilespmem:s5+$0x8DA0] =	vst v1  }
0x1c1: {  	v1 =	vld [tilespmem:s2+$0xD80];
	_ =	sdelay $0x1  }
0x1c2: {  	s2 =	spop (v2sf)  }
0x1c3: {  	s7 =	sand.u32 $0x7F, s2;
	s31 =	sshll.u32 s2, $0x2  }
0x1c4: {  	s31 =	sand.u32 $0xFFFFFE00, s31;
	s7 =	sshll.u32 s7, $0x2  }
0x1c5: {  	s7 =	sor.u32 s7, s31;
	v1 =	vmul.f32 $8.000000000e+00, v1  }
0x1c6: {  	s7 =	sshra.s32 s7, $0x2  }
0x1c7: {  	s7 =	sadd.s32 s5, s7;
	[tilespmem:s5+$0x8DB0] =	vst v1  }
0x1c8: {  	v1 =	vld [tilespmem:s7+$0xE00];
	_ =	sdelay $0x1  }
0x1c9: {  	s7 =	sadd.s32 $0x10, s2  }
0x1ca: {  	s31 =	sand.u32 $0x7F, s7;
	s7 =	sshll.u32 s7, $0x2  }
0x1cb: {  	s7 =	sand.u32 $0xFFFFFE00, s7;
	s31 =	sshll.u32 s31, $0x2  }
0x1cc: {  	s7 =	sor.u32 s31, s7;
	v1 =	vmul.f32 $8.000000000e+00, v1  }
0x1cd: {  	s7 =	sshra.s32 s7, $0x2  }
0x1ce: {  	s7 =	sadd.s32 s5, s7;
	[tilespmem:s5+$0x8E00] =	vst v1  }
0x1cf: {  	v1 =	vld [tilespmem:s7+$0xE00];
	_ =	sdelay $0x1  }
0x1d0: {  	s7 =	sadd.s32 $0x20, s2  }
0x1d1: {  	(v2sf) =	vpush v0, $0xD;
	s31 =	sand.u32 $0x7F, s7;
	s7 =	sshll.u32 s7, $0x2  }
0x1d2: {  	s7 =	sand.u32 $0xFFFFFE00, s7;
	s31 =	sshll.u32 s31, $0x2  }
0x1d3: {  	s7 =	sor.u32 s31, s7;
	v1 =	vmul.f32 $8.000000000e+00, v1  }
0x1d4: {  	s7 =	sshra.s32 s7, $0x2  }
0x1d5: {  	s7 =	sadd.s32 s5, s7;
	[tilespmem:s5+$0x8E10] =	vst v1  }
0x1d6: {  	v1 =	vld [tilespmem:s7+$0xE00];
	_ =	sdelay $0x1  }
0x1d7: {  	s2 =	sadd.s32 $0x30, s2  }
0x1d8: {  	s31 =	sand.u32 $0x7F, s2;
	s2 =	sshll.u32 s2, $0x2  }
0x1d9: {  	s2 =	sand.u32 $0xFFFFFE00, s2;
	s7 =	sshll.u32 s31, $0x2  }
0x1da: {  	s2 =	sor.u32 s7, s2;
	v1 =	vmul.f32 $8.000000000e+00, v1  }
0x1db: {  	s2 =	sshra.s32 s2, $0x2  }
0x1dc: {  	s2 =	sadd.s32 s5, s2;
	[tilespmem:s5+$0x8E20] =	vst v1  }
0x1dd: {  	v1 =	vld [tilespmem:s2+$0xE00];
	_ =	sdelay $0x1  }
0x1de: {  	s2 =	spop (v2sf)  }
0x1df: {  	s7 =	sand.u32 $0x7F, s2;
	s31 =	sshll.u32 s2, $0x2  }
0x1e0: {  	s31 =	sand.u32 $0xFFFFFE00, s31;
	s7 =	sshll.u32 s7, $0x2  }
0x1e1: {  	s7 =	sor.u32 s7, s31;
	v1 =	vmul.f32 $8.000000000e+00, v1  }
0x1e2: {  	s7 =	sshra.s32 s7, $0x2  }
0x1e3: {  	s7 =	sadd.s32 s5, s7;
	[tilespmem:s5+$0x8E30] =	vst v1  }
0x1e4: {  	v1 =	vld [tilespmem:s7+$0xE80];
	_ =	sdelay $0x1  }
0x1e5: {  	s7 =	sadd.s32 $0x10, s2  }
0x1e6: {  	s31 =	sand.u32 $0x7F, s7;
	s7 =	sshll.u32 s7, $0x2  }
0x1e7: {  	s7 =	sand.u32 $0xFFFFFE00, s7;
	s31 =	sshll.u32 s31, $0x2  }
0x1e8: {  	s7 =	sor.u32 s31, s7;
	v1 =	vmul.f32 $8.000000000e+00, v1  }
0x1e9: {  	s7 =	sshra.s32 s7, $0x2  }
0x1ea: {  	s7 =	sadd.s32 s5, s7;
	[tilespmem:s5+$0x8E80] =	vst v1  }
0x1eb: {  	v1 =	vld [tilespmem:s7+$0xE80];
	_ =	sdelay $0x1  }
0x1ec: {  	s7 =	sadd.s32 $0x20, s2  }
0x1ed: {  	(v2sf) =	vpush v0, $0xE;
	s31 =	sand.u32 $0x7F, s7;
	s7 =	sshll.u32 s7, $0x2  }
0x1ee: {  	s7 =	sand.u32 $0xFFFFFE00, s7;
	s31 =	sshll.u32 s31, $0x2  }
0x1ef: {  	s7 =	sor.u32 s31, s7;
	v1 =	vmul.f32 $8.000000000e+00, v1  }
0x1f0: {  	s7 =	sshra.s32 s7, $0x2  }
0x1f1: {  	s7 =	sadd.s32 s5, s7;
	[tilespmem:s5+$0x8E90] =	vst v1  }
0x1f2: {  	v1 =	vld [tilespmem:s7+$0xE80];
	_ =	sdelay $0x1  }
0x1f3: {  	s2 =	sadd.s32 $0x30, s2  }
0x1f4: {  	s31 =	sand.u32 $0x7F, s2;
	s2 =	sshll.u32 s2, $0x2  }
0x1f5: {  	s2 =	sand.u32 $0xFFFFFE00, s2;
	s7 =	sshll.u32 s31, $0x2  }
0x1f6: {  	s2 =	sor.u32 s7, s2;
	v1 =	vmul.f32 $8.000000000e+00, v1  }
0x1f7: {  	s2 =	sshra.s32 s2, $0x2  }
0x1f8: {  	s2 =	sadd.s32 s5, s2;
	[tilespmem:s5+$0x8EA0] =	vst v1  }
0x1f9: {  	v1 =	vld [tilespmem:s2+$0xE80];
	_ =	sdelay $0x1  }
0x1fa: {  	s2 =	spop (v2sf)  }
0x1fb: {  	s7 =	sand.u32 $0x7F, s2;
	s31 =	sshll.u32 s2, $0x2  }
0x1fc: {  	s31 =	sand.u32 $0xFFFFFE00, s31;
	s7 =	sshll.u32 s7, $0x2  }
0x1fd: {  	s7 =	sor.u32 s7, s31;
	v1 =	vmul.f32 $8.000000000e+00, v1  }
0x1fe: {  	s7 =	sshra.s32 s7, $0x2  }
0x1ff: {  	s7 =	sadd.s32 s5, s7;
	[tilespmem:s5+$0x8EB0] =	vst v1  }
0x200: {  	v1 =	vld [tilespmem:s7+$0xF00];
	_ =	sdelay $0x1  }
0x201: {  	s7 =	sadd.s32 $0x10, s2  }
0x202: {  	s31 =	sand.u32 $0x7F, s7;
	s7 =	sshll.u32 s7, $0x2  }
0x203: {  	s7 =	sand.u32 $0xFFFFFE00, s7;
	s31 =	sshll.u32 s31, $0x2  }
0x204: {  	s7 =	sor.u32 s31, s7;
	v1 =	vmul.f32 $8.000000000e+00, v1  }
0x205: {  	s7 =	sshra.s32 s7, $0x2  }
0x206: {  	s7 =	sadd.s32 s5, s7;
	[tilespmem:s5+$0x8F00] =	vst v1  }
0x207: {  	v1 =	vld [tilespmem:s7+$0xF00];
	_ =	sdelay $0x1  }
0x208: {  	s7 =	sadd.s32 $0x20, s2  }
0x209: {  	(v2sf) =	vpush v0, $0xF;
	s31 =	sand.u32 $0x7F, s7;
	s7 =	sshll.u32 s7, $0x2  }
0x20a: {  	s7 =	sand.u32 $0xFFFFFE00, s7;
	s31 =	sshll.u32 s31, $0x2  }
0x20b: {  	s7 =	sor.u32 s31, s7;
	v63 =	vmul.f32 $8.000000000e+00, v1  }
0x20c: {  	s7 =	sshra.s32 s7, $0x2  }
0x20d: {  	s7 =	sadd.s32 s5, s7;
	[tilespmem:s5+$0x8F10] =	vst v63  }
0x20e: {  	v0 =	vld [tilespmem:s7+$0xF00];
	_ =	sdelay $0x1  }
0x20f: {  	s2 =	sadd.s32 $0x30, s2  }
0x210: {  	s31 =	sand.u32 $0x7F, s2;
	s2 =	sshll.u32 s2, $0x2  }
0x211: {  	s2 =	sand.u32 $0xFFFFFE00, s2;
	s7 =	sshll.u32 s31, $0x2  }
0x212: {  	s2 =	sor.u32 s7, s2;
	v0 =	vmul.f32 $8.000000000e+00, v0  }
0x213: {  	s2 =	sshra.s32 s2, $0x2  }
0x214: {  	s2 =	sadd.s32 s5, s2;
	[tilespmem:s5+$0x8F20] =	vst v0  }
0x215: {  	v0 =	vld [tilespmem:s2+$0xF00];
	_ =	sdelay $0x1  }
0x216: {  	s2 =	spop (v2sf)  }
0x217: {  	s7 =	sand.u32 $0x7F, s2;
	s31 =	sshll.u32 s2, $0x2  }
0x218: {  	s31 =	sand.u32 $0xFFFFFE00, s31;
	s7 =	sshll.u32 s7, $0x2  }
0x219: {  	s7 =	sor.u32 s7, s31;
	v0 =	vmul.f32 $8.000000000e+00, v0  }
0x21a: {  	s7 =	sshra.s32 s7, $0x2  }
0x21b: {  	s7 =	sadd.s32 s5, s7;
	[tilespmem:s5+$0x8F30] =	vst v0  }
0x21c: {  	v0 =	vld [tilespmem:s7+$0xF80];
	_ =	sdelay $0x1  }
0x21d: {  	s7 =	sadd.s32 $0x10, s2  }
0x21e: {  	s31 =	sand.u32 $0x7F, s7;
	s7 =	sshll.u32 s7, $0x2  }
0x21f: {  	s7 =	sand.u32 $0xFFFFFE00, s7;
	s31 =	sshll.u32 s31, $0x2  }
0x220: {  	s7 =	sor.u32 s31, s7;
	v0 =	vmul.f32 $8.000000000e+00, v0  }
0x221: {  	s7 =	sshra.s32 s7, $0x2  }
0x222: {  	s7 =	sadd.s32 s5, s7;
	[tilespmem:s5+$0x8F80] =	vst v0  }
0x223: {  	v0 =	vld [tilespmem:s7+$0xF80];
	_ =	sdelay $0x1  }
0x224: {  	s7 =	sadd.s32 $0x20, s2  }
0x225: {  	s31 =	sand.u32 $0x7F, s7;
	s7 =	sshll.u32 s7, $0x2  }
0x226: {  	s7 =	sand.u32 $0xFFFFFE00, s7;
	s31 =	sshll.u32 s31, $0x2  }
0x227: {  	s7 =	sor.u32 s31, s7;
	v0 =	vmul.f32 $8.000000000e+00, v0  }
0x228: {  	s7 =	sshra.s32 s7, $0x2  }
0x229: {  	s7 =	sadd.s32 s5, s7;
	[tilespmem:s5+$0x8F90] =	vst v0  }
0x22a: {  	v0 =	vld [tilespmem:s7+$0xF80];
	_ =	sdelay $0x1  }
0x22b: {  	s2 =	sadd.s32 $0x30, s2  }
0x22c: {  	s31 =	sand.u32 $0x7F, s2;
	s2 =	sshll.u32 s2, $0x2  }
0x22d: {  	s2 =	sand.u32 $0xFFFFFE00, s2;
	s7 =	sshll.u32 s31, $0x2  }
0x22e: {  	s2 =	sor.u32 s7, s2;
	v0 =	vmul.f32 $8.000000000e+00, v0  }
0x22f: {  	s2 =	sshra.s32 s2, $0x2  }
0x230: {  	s2 =	sadd.s32 s5, s2;
	[tilespmem:s5+$0x8FA0] =	vst v0  }
0x231: {  	v0 =	vld [tilespmem:s2+$0xF80];
	_ =	sdelay $0x1  }
0x232: {  	p0 =	sne.s32 s10, $0x1E000  }
.Ltmp0:
0x233: {  	_ = 	snop;
	(pc) =	sbr.rel @p0 .LBB2_4-.Ltmp0, $3  }
0x234: {  	_ = 	snop  }
0x235: {  	v0 =	vmul.f32 $8.000000000e+00, v0;
	_ =	sdelay $0x1  }
0x236: {  	s1 =	sadd.s32 $0x10, s1;
	s10 =	sadd.s32 $0x2000, s10;
	[tilespmem:s5+$0x8FB0] =	vst v0  }
0x237: {  	s1 =	sadd.s32 s0, s30;
	s8 =	sadd.s32 $0x1, s8  }
0x238: {  	s1 =	sshll.u32 s1, $0x4;
	p0 =	sne.s32 s8, $0x4  }
.Ltmp1:
0x239: {  	s2 =	simm.s32 $0x0;
	s1 =	sadd.s32 s6, s1;
	(pc) =	sbr.rel @p0 .LBB2_3-.Ltmp1, $4  }
0x23a: {  	[hbm4b:s1+s2] =	stream.linear.scatter [tilespmem:s29], [sflag:$0x2], $0x8000, $0x38;
	[tilespmem:$0x10800] =	vst v63  }
0x23b: {  	_ =	swait.ge [sflag:s9], $0x8000  }
0x23c: {  	[sflag:s9] =	ssyncset.done $0x0  }
0x23d: {  	[sflag:s9] =	ssyncadd.s32 $0xFFFF8000  }
0x23e: {  	s0 =	rddreg [dreg:$0x8]  }
0x23f: {  	s0 =	sadd.s32 $0x1, s0  }
0x240: {  	p0 =	sne.s32 s0, $0x19  }
.Ltmp2:
0x241: {  	_ = 	snop;
	(pc) =	sbr.rel @p0 .LBB2_2-.Ltmp2, $1  }
0x242: {  	_ =	sdelay $0x3  }
0x243: {  	s1 =	rddreg [dreg:$0x7]  }
0x244: {  	s0 =	rddreg [dreg:$0x6];
	s1 =	sadd.s32 $0x1, s1  }
0x245: {  	p0 =	sne.s32 s1, s0  }
.Ltmp3:
0x246: {  	_ = 	snop;
	(pc) =	sbr.rel @p0 .LBB2_1-.Ltmp3, $1  }
0x247: {  	_ =	sdelay $0x3  }
0x248: {  	_ =	sfence.sel $0x180000  }
0x249: {  	[bflag:$0x0] =	sbarrier.arrive $0xFFFF  }
0x24a: {  	_ =	strace $0x90000047  }
0x24b: {  	s0 =	stileid.u32;
	[bflag:$0x2] =	sbarrier.arrive $0xFFFF  }
0x24c: {  	p0 =	sne.s32 s0, $0x0;
	s0 =	rddreg [dreg:$0x2]  }
0x24d: {  	s0 =	sadd.s32 @!p0 $0x100000, s0  }
0x24e: {  	[sflag:s0] =	ssyncadd.tile.s32 @!p0 $0x1;
	_ =	shalt  }
.Lfunc_end2:
_tile_overlayer_lowered:
.L_overlay_start_2:
0x24f: {  	(tag) =	ssettag $0x2  }
0x250: {  	s0 =	rddreg [dreg:$0x0];
	s2 =	stileid.u32  }
0x251: {  	s1 =	rddreg [dreg:$0x1];
	p0 =	sne.s32 s2, $0x0  }
0x252: {  	s3 =	rddreg [dreg:$0x2];
	[bflag:$0x3] =	sbarrier.arrive $0xFFFF;
	s2 =	simm.s32 @!p0 $0x1C02  }
0x253: {  	[timem:s3], [sflag:s2] =	dma.local @!p0 [hbm:s0], s1  }
0x254: {  	s0 =	simm.s32 @!p0 $0x2  }
0x255: {  	_ =	swait.ge @!p0 [sflag:s0], s1  }
0x256: {  	s1 =	ssub.s32 @!p0 $0x0, s1;
	[sflag:s0] =	ssyncset.done @!p0 $0x0  }
0x257: {  	[sflag:s0] =	ssyncadd.s32 @!p0 s1  }
0x258: {  	[bflag:$0x3] =	sbarrier.arrive $0xFFFF  }
0x259: {  	_ =	shalt  }

// kernel: sparse-core-data-format-call.cloned.1.call-start
scs
called_computation_lowered:
.L_overlay_start_0:
0x0: {  	s2 =	sld [smem:$0x3FD9]  }
0x1: {  	s3 =	sld [smem:$0x3FFE];
	_ =	sdelay $0x1  }
0x2: {  	s1 =	srdreg.scid  }
0x3: {  	s0 =	sand.u32 $0x1, s1  }
0x4: {  	s18 =	sshll.u32 s0, $0xA;
	s2 =	sadd.s32 s3, s2  }
0x5: {  	s2 =	sadd.s32 s2, s18  }
0x6: {  	[smem:$0x3FC6] =	sst s2  }
0x7: {  	_ = 	snop  }
0x8: {  	s2 =	sld [smem:$0x3FD0];
	(tm) =	ssettm $0x1  }
0x9: {  	s19 =	sld [smem:$0x3FFB];
	_ =	sdelay $0x3  }
0xa: {  	_ =	strace s19  }
0xb: {  	s3 =	sld [smem:$0x3FFC];
	_ =	sdelay $0x3  }
0xc: {  	_ =	strace s3  }
0xd: {  	s3 =	sld [smem:$0x3FFD];
	_ =	sdelay $0x3  }
0xe: {  	_ =	strace s3  }
0xf: {  	_ =	strace $0x8FFFFFFF  }
0x10: {  	s20 =	sld [smem:$0x3FDB];
	_ =	sdelay $0x1  }
0x11: {  	s4 =	simm.s32 $_scs_section_size  }
0x12: {  	s5 =	simm.s32 $_size__tile_overlayer_lowered;
	s6 =	simm.s32 $_tile_overlayer_lowered  }
0x13: {  	s23 =	simm.s32 $0x1BFF;
	s22 =	sshll.u32 s6, $0x1;
	s3 =	sadd.s32 s4, s20  }
0x14: {  	s7 =	simm.s32 $0x0;
	s21 =	sshll.u32 s5, $0x1;
	s5 =	sadd.s32 s22, s3  }
0x15: {  	[timem:s7], [sflag:s23] =	dma.local [hbm:s5], s21  }
0x16: {  	_ =	swait.ge [sflag:s23], s21  }
0x17: {  	s4 =	ssub.s32 $0x0, s21;
	[sflag:s23] =	ssyncset.done $0x0  }
0x18: {  	[sflag:s23] =	ssyncadd.s32 s4;
	_ =	sdelay $0x1  }
0x19: {  	s24 =	simm.s32 $0x1B8B  }
0x1a: {  	_ =	swait.ge [sflag:s24], $0x1  }
0x1b: {  	[sflag:s24] =	ssyncset.done $0x0  }
0x1c: {  	s26 =	simm.s32 $0x1B8E;
	s25 =	sld [smem:$0x3FFE];
	[sflag:s24] =	ssyncadd.s32 $0xFFFFFFFF  }
0x1d: {  	s27 =	simm.s32 $execute0_lowered;
	[smem:$0x3FD2] =	sst s26  }
0x1e: {  	s5 =	sshll.u32 s27, $0x1;
	_ =	strace $0x80000049;
	[dreg:$0x1] =	wrdreg $0xFFFFFFFF  }
0x1f: {  	s28 =	simm.s32 $_size_execute0_lowered;
	s3 =	sadd.s32 s3, s5;
	[dreg:$0x0] =	wrdreg $0x0  }
0x20: {  	s5 =	sshll.u32 s28, $0x1;
	[dreg:$0x2] =	wrdreg s3  }
0x21: {  	[dreg:$0x3] =	wrdreg s5  }
0x22: {  	[dreg:$0x4] =	wrdreg $0xC0  }
0x23: {  	_ =	task [dreg:s7], $0x5FFFF  }
0x24: {  	[dreg:$0x1] =	wrdreg $0xFFFFFFFF  }
0x25: {  	[dreg:$0x0] =	wrdreg $0x60  }
0x26: {  	[dreg:$0x2] =	wrdreg s25  }
0x27: {  	[dreg:$0x3] =	wrdreg s2  }
0x28: {  	[dreg:$0x4] =	wrdreg $0x9  }
0x29: {  	_ =	task.clear_ibuf [dreg:s7], $0x5FFFF;
	_ =	strace $0x90000049  }
0x2a: {  	s29 =	simm.s32 $0x9;
	_ =	strace $0x8000004B  }
0x2b: {  	_ =	swait.ge [sflag:s29], $0x1  }
0x2c: {  	[sflag:s29] =	ssyncadd.s32 $0xFFFFFFFF  }
0x2d: {  	_ =	strace $0x9000004B  }
0x2e: {  	_ =	sfence  }
0x2f: {  	s30 =	sld [smem:$0x0];
	_ =	sdelay $0x2  }
0x30: {  	s31 =	sshll.u32 s1, $0xD;
	s1 =	sshrl.u32 s1, $0x2  }
0x31: {  	s3 =	sand.u32 $0x4000, s31;
	s1 =	sadd.s32 s1, s30  }
0x32: {  	s0 =	sor.u32 s3, s0;
	s1 =	sshll.u32 s1, $0x11  }
0x33: {  	s0 =	sor.u32 s1, s0  }
0x34: {  	s0 =	sadd.s32 $0x8F2B, s0  }
0x35: {  	[sflag:s0] =	ssyncadd.remote.s32 $0x1  }
0x36: {  	_ =	sfence.sel $0xFFFF  }
0x37: {  	[dreg:$0x0] =	wrdreg $0xFFFFFFFF;
	(pc) =	sbr.abs _section_cstart, $3  }
0x38: {  	[dreg:$0x1] =	wrdreg $0xFFFFFFFF  }
0x39: {  	_ =	task.clear_ibuf [dreg:s7], $0x2FFFF;
	_ =	strace $0x9FFFFFFF  }
0x3a: {  	(tm) =	ssettm $0x7FFFFFFF  }
0x3b: {  	_ =	shalt  }
tec
execute0_lowered:
.L_overlay_start_1:
0x0: {  	(tag) =	ssettag $0x1  }
0x1: {  	s0 =	srdreg.scid  }
0x2: {  	s1 =	sshll.u32 s0, $0x4  }
0x3: {  	s0 =	stileid.u32;
	s1 =	sand.u32 $0x10, s1  }
0x4: {  	s1 =	sor.u32 s0, s1  }
0x5: {  	s6 =	rddreg [dreg:$0x0];
	s4 =	simm.s32 $0x1;
	s2 =	sshll.u32 s1, $0x7  }
0x6: {  	s7 =	simm.s32 $0x2;
	s12 =	simm.s32 $0x0;
	s1 =	ssub.s32 $0x1000, s2  }
0x7: {  	s8 =	simm.s32 $0x8000;
	s13 =	simm.s32 $0x0;
	s3 =	sand.u32 $0xF80, s1  }
0x8: {  	s9 =	simm.s32 $0x0;
	s5 =	sshrl.u32 s1, $0xC;
	p0 =	sne.s32 s3, $0x0  }
.Ltmp0:
0x9: {  	s1 =	rddreg [dreg:$0x2];
	s4 =	simm.s32 @!p0 $0x0;
	(pc) =	sbr.rel .LBB1_1-.Ltmp0, $4  }
0xa: {  	s11 =	simm.s32 $0x0;
	s3 =	rddreg [dreg:$0x1];
	s5 =	sadd.s32 s4, s5  }
0xb: {  	_ =	strace $0x8000004A;
	s4 =	simm.s32 $0x1;
	s5 =	smul.u32 $0xC8, s5  }
0xc: {  	s6 =	sadd.s32 $0x19C00, s6;
	s10 =	smov.u32 s2;
	[sflag:s4] =	ssyncpa.u1 $0x0  }
0xd: {  	p0 =	por $0x0, $0x0;
	[sflag:s7] =	ssyncpa.u1 $0x0;
	s7 =	sor.u32 $0x1, s5  }
.LBB1_4:
0xe: {  	s16 =	sshll.u32 s13, $0x3;
	s17 =	sand.u32 $0x78, s13  }
0xf: {  	s30 =	sand.u32 $0x7E00, s13;
	s12 =	sshll.u32 s12, $0xF;
	s16 =	sand.u32 $0xC00, s16  }
0x10: {  	[tilespmem:s15+$0x810 ss:$0x81] =	vst.msk $0xffff, v2;
	s31 =	sand.u32 $0x7, s13;
	s16 =	sor.u32 s17, s16;
	s17 =	sadd.s32 s3, s30  }
0x11: {  	[tilespmem:s15+$0x1020 ss:$0x81] =	vst.msk $0xffff, v0;
	s13 =	sshll.u32 s31, $0x12;
	s12 =	sadd.s32 s12, s17;
	s16 =	sshrl.u32 s16, $0x3  }
0x12: {  	[tilespmem:s15+$0x0 ss:$0x81] =	vst.msk $0xffff, v1;
	s13 =	sor.u32 $0x400, s13;
	s12 =	sadd.s32 s16, s12  }
0x13: {  	[hbm4b:s12+s13] =	stream.strided.scatter [tilespmem:s14], [sflag:$0x2], $0x2000, s8, s13, $0x20;
	[tilespmem:$0x8080] =	vst v63  }
.LBB1_5:
0x14: {  	s14 =	sadd.s32 $0x1, s9  }
0x15: {  	s12 =	sadd.s32 $0x1000, s10;
	s16 =	smov.u32 s10;
	p2 =	sgt.s32 s14, $0xC7  }
0x16: {  	s16 =	smov.u32 @p2 s12  }
0x17: {  	s14 =	simm.s32 @p2 $0x0;
	p2 =	sgt.s32 s16, $0xFFF  }
0x18: {  	s16 =	smov.u32 @p2 s2;
	p2 =	sne.s32 s11, s7  }
.Ltmp1:
0x19: {  	p1 =	slt.u32 s11, $0x2;
	(pc) =	sbr.rel @!p2 .LBB1_6-.Ltmp1, $4  }
0x1a: {  	s15 =	simm.s32 @!p1 $0x2  }
0x1b: {  	s13 =	smov.u32 s10;
	p0 =	por !p0, !p0;
	_ =	swait.ge @!p1 [sflag:s15], $0x2000  }
0x1c: {  	s12 =	smov.u32 s9;
	[sflag:s15] =	ssyncset.done @!p1 $0x0;
	s9 =	smov.u32 s14  }
0x1d: {  	s11 =	sadd.s32 $0x1, s11;
	[sflag:s15] =	ssyncadd.s32 @!p1 $0xFFFFE000;
	s10 =	smov.u32 s16  }
.LBB1_1:
0x1e: {  	p1 =	sge.u32 s11, s5  }
0x1f: {  	s14 =	sand.u32 @!p1 $0x1FFFFFF, s9  }
0x20: {  	s15 =	smulhi.u32 @!p1 $0x147AE15, s14;
	_ =	sdelay $0x1  }
0x21: {  	s15 =	smul.u32 @!p1 $0xC8, s15  }
0x22: {  	s16 =	sxor.u32 @!p1 $0xFFFFFFFF, s11;
	s17 =	smul.u32 @!p1 $0xC80, s10  }
0x23: {  	s31 =	sadd.s32 $0xFFFFFFFF, s11;
	s16 =	sshll.u32 @!p1 s16, $0xD;
	s14 =	ssub.s32 @!p1 s14, s15  }
0x24: {  	s15 =	sand.u32 @!p1 $0x2000, s16;
	s16 =	sadd.s32 @!p1 s6, s17;
	s14 =	sshll.u32 @!p1 s14, $0x4  }
0x25: {  	s17 =	simm.s32 @!p1 $0x6400;
	s14 =	sadd.s32 @!p1 s14, s16;
	s16 =	simm.s32 @!p1 $0x40  }
0x26: {  	[tilespmem:s15], [sflag:$0x1] =	stream.strided.gather @!p1 [hbm4b:s14+s16], $0x2000, s17, s16, $0x38;
	[tilespmem:$0x8080] =	vst v63  }
0x27: {  	p1 =	sge.u32 s31, s5  }
.Ltmp2:
0x28: {  	_ = 	snop;
	(pc) =	sbr.rel @p1 .LBB1_5-.Ltmp2, $1  }
0x29: {  	_ =	sdelay $0x3  }
0x2a: {  	s14 =	simm.s32 $0x1  }
0x2b: {  	_ =	swait.ge [sflag:s4], $0x2000;
	s14 =	simm.s32 @!p0 $0x0  }
0x2c: {  	[sflag:s4] =	ssyncset.done $0x0;
	s15 =	sshll.u32 s14, $0xD  }
0x2d: {  	[sflag:s4] =	ssyncadd.s32 $0xFFFFE000;
	s18 =	sor.u32 $0x20, s15  }
0x2e: {  	s14 =	smul.u32 $0x8100, s14;
	v3 =	vld [tilespmem:s18+$0x10]  }
0x2f: {  	s30 =	sand.u32 $0x1, s11;
	v2 =	vld [tilespmem:s18+$0xFFFFFFF0]  }
0x30: {  	s15 =	smul.u32 $0x8100, s30;
	s14 =	sshrl.u32 s14, $0x2;
	v0 =	vld [tilespmem:s18+$0x0]  }
0x31: {  	v1 =	vld [tilespmem:s18+$0xFFFFFFE0];
	s16 =	sor.u32 $0x4000, s14  }
0x32: {  	s31 =	sshrl.u32 s15, $0x2;
	s15 =	sadd.s32 $0x0, s16  }
0x33: {  	s17 =	simm.s32 $0x4;
	s18 =	sadd.s32 $0x40, s18;
	s14 =	sor.u32 $0x4000, s31;
	[tilespmem:s15+$0x1830 ss:$0x81] =	vst.msk $0xffff, v3  }
.LBB1_3:
0x34: {  	v3 =	vld [tilespmem:s18+$0x10];
	p1 =	sne.s32 s17, $0x1FC;
	[tilespmem:s15+$0x810 ss:$0x81] =	vst.msk $0xffff, v2;
	s19 =	smov.u32 s17;
	s17 =	sadd.s32 $0x4, s17  }
.Ltmp3:
0x35: {  	v2 =	vld [tilespmem:s18+$0xFFFFFFF0];
	[tilespmem:s15+$0x1020 ss:$0x81] =	vst.msk $0xffff, v0;
	(pc) =	sbr.rel @p1 .LBB1_3-.Ltmp3, $4  }
0x36: {  	v0 =	vld [tilespmem:s18+$0x0];
	[tilespmem:s15+$0x0 ss:$0x81] =	vst.msk $0xffff, v1  }
0x37: {  	s15 =	sshra.s32 s19, $0x2;
	v1 =	vld [tilespmem:s18+$0xFFFFFFE0]  }
0x38: {  	s15 =	sadd.s32 s15, s16  }
0x39: {  	s18 =	sadd.s32 $0x40, s18;
	[tilespmem:s15+$0x1830 ss:$0x81] =	vst.msk $0xffff, v3  }
.Ltmp4:
0x3a: {  	_ = 	snop;
	(pc) =	sbr.rel .LBB1_4-.Ltmp4, $1  }
0x3b: {  	_ =	sdelay $0x3  }
.LBB1_6:
0x3c: {  	_ =	sfence.sel $0x180000  }
0x3d: {  	s2 =	simm.s32 $0x1;
	[bflag:$0x0] =	sbarrier.arrive $0xFFFF  }
0x3e: {  	s31 =	simm.s32 $0x2;
	[sflag:s2] =	ssyncpa.u1 $0x1  }
0x3f: {  	[sflag:s31] =	ssyncpa.u1 $0x1  }
0x40: {  	p0 =	sne.s32 s0, $0x0;
	_ =	strace $0x9000004A  }
0x41: {  	s0 =	sadd.s32 @!p0 $0x100000, s1;
	[bflag:$0x2] =	sbarrier.arrive $0xFFFF  }
0x42: {  	[sflag:s0] =	ssyncadd.tile.s32 @!p0 $0x1;
	_ =	shalt  }
.Lfunc_end1:
_tile_overlayer_lowered:
.L_overlay_start_2:
0x43: {  	(tag) =	ssettag $0x2  }
0x44: {  	s0 =	rddreg [dreg:$0x0];
	s2 =	stileid.u32  }
0x45: {  	s1 =	rddreg [dreg:$0x1];
	p0 =	sne.s32 s2, $0x0  }
0x46: {  	s3 =	rddreg [dreg:$0x2];
	[bflag:$0x3] =	sbarrier.arrive $0xFFFF;
	s2 =	simm.s32 @!p0 $0x1C01  }
0x47: {  	[timem:s3], [sflag:s2] =	dma.local @!p0 [hbm:s0], s1  }
0x48: {  	s0 =	simm.s32 @!p0 $0x1  }
0x49: {  	_ =	swait.ge @!p0 [sflag:s0], s1  }
0x4a: {  	s1 =	ssub.s32 @!p0 $0x0, s1;
	[sflag:s0] =	ssyncset.done @!p0 $0x0  }
0x4b: {  	[sflag:s0] =	ssyncadd.s32 @!p0 s1  }
0x4c: {  	[bflag:$0x3] =	sbarrier.arrive $0xFFFF  }
0x4d: {  	_ =	shalt  }

</sc_bundles>
